<compile_context>
chip_gen: v7x
topology: tpu7x:2x2x1
jax: 0.10.2.dev20260603
libtpu: 0.0.44.dev20260713+nightly
codegen_flags: <defaults>
</compile_context>

<pallas_src>
import functools

import jax
import jax.numpy as jnp
from jax import lax
from jax.experimental import pallas as pl
from jax.experimental.pallas import tpu as pltpu
from jax.experimental.pallas import tpu_sc as plsc

NN = 10000
HID = 128
NE = 320000
NC, NS = 2, 16
NW = NC * NS
EPW = NE // NW
VL = 16
CHUNK = 1000
GRID = NN // CHUNK

_f32 = jnp.float32



def _proj0_body(x_ref, wf_ref, wb_ref, bf_ref, bb_ref, xf_ref, xb_ref):
    x = x_ref[...]
    xf_ref[...] = jnp.dot(x, wf_ref[...], preferred_element_type=_f32) + bf_ref[...]
    xb_ref[...] = jnp.dot(x, wb_ref[...], preferred_element_type=_f32) + bb_ref[...]


def _proj0(x, wfT, wbT, bf, bb):
    return pl.pallas_call(
        _proj0_body,
        grid=(GRID,),
        in_specs=[
            pl.BlockSpec((CHUNK, HID), lambda i: (i, 0)),
            pl.BlockSpec((HID, 4 * HID), lambda i: (0, 0)),
            pl.BlockSpec((HID, 4 * HID), lambda i: (0, 0)),
            pl.BlockSpec((1, 4 * HID), lambda i: (0, 0)),
            pl.BlockSpec((1, 4 * HID), lambda i: (0, 0)),
        ],
        out_specs=[
            pl.BlockSpec((CHUNK, 4 * HID), lambda i: (i, 0)),
            pl.BlockSpec((CHUNK, 4 * HID), lambda i: (i, 0)),
        ],
        out_shape=[
            jax.ShapeDtypeStruct((NN, 4 * HID), _f32),
            jax.ShapeDtypeStruct((NN, 4 * HID), _f32),
        ],
    )(x, wfT, wbT, bf, bb)


def _proj1_body(hf_ref, hb_ref, af_ref, bf_ref, ab_ref, bb_ref,
                cf_ref, cb_ref, xf_ref, xb_ref):
    hf = hf_ref[...]
    hb = hb_ref[...]
    xf_ref[...] = (jnp.dot(hf, af_ref[...], preferred_element_type=_f32)
                   + jnp.dot(hb, bf_ref[...], preferred_element_type=_f32)
                   + cf_ref[...])
    xb_ref[...] = (jnp.dot(hf, ab_ref[...], preferred_element_type=_f32)
                   + jnp.dot(hb, bb_ref[...], preferred_element_type=_f32)
                   + cb_ref[...])


def _proj1(hf, hb, afT, bfT, abT, bbT, cf, cb):
    return pl.pallas_call(
        _proj1_body,
        grid=(GRID,),
        in_specs=[
            pl.BlockSpec((CHUNK, HID), lambda i: (i, 0)),
            pl.BlockSpec((CHUNK, HID), lambda i: (i, 0)),
            pl.BlockSpec((HID, 4 * HID), lambda i: (0, 0)),
            pl.BlockSpec((HID, 4 * HID), lambda i: (0, 0)),
            pl.BlockSpec((HID, 4 * HID), lambda i: (0, 0)),
            pl.BlockSpec((HID, 4 * HID), lambda i: (0, 0)),
            pl.BlockSpec((1, 4 * HID), lambda i: (0, 0)),
            pl.BlockSpec((1, 4 * HID), lambda i: (0, 0)),
        ],
        out_specs=[
            pl.BlockSpec((CHUNK, 4 * HID), lambda i: (i, 0)),
            pl.BlockSpec((CHUNK, 4 * HID), lambda i: (i, 0)),
        ],
        out_shape=[
            jax.ShapeDtypeStruct((NN, 4 * HID), _f32),
            jax.ShapeDtypeStruct((NN, 4 * HID), _f32),
        ],
    )(hf, hb, afT, bfT, abT, bbT, cf, cb)



def _scan_body(xf_ref, xb_ref, wf_ref, wb_ref, hf_out, hb_out,
               hf_s, cf_s, hb_s, cb_s):
    @pl.when(pl.program_id(0) == 0)
    def _():
        hf_s[...] = jnp.zeros((1, HID), _f32)
        cf_s[...] = jnp.zeros((1, HID), _f32)
        hb_s[...] = jnp.zeros((1, HID), _f32)
        cb_s[...] = jnp.zeros((1, HID), _f32)

    wf = wf_ref[...]
    wb = wb_ref[...]

    def _sig(x):
        return 0.5 * jnp.tanh(0.5 * x) + 0.5

    def step(t, carry):
        hf, cf, hb, cb = carry
        gf = xf_ref[pl.ds(t, 1), :] + jnp.dot(hf, wf, preferred_element_type=_f32)
        i = _sig(gf[:, 0:HID])
        f = _sig(gf[:, HID:2 * HID])
        g = jnp.tanh(gf[:, 2 * HID:3 * HID])
        o = _sig(gf[:, 3 * HID:4 * HID])
        cf = f * cf + i * g
        hf = o * jnp.tanh(cf)
        hf_out[pl.ds(t, 1), :] = hf

        tb = CHUNK - 1 - t
        gb = xb_ref[pl.ds(tb, 1), :] + jnp.dot(hb, wb, preferred_element_type=_f32)
        ib = _sig(gb[:, 0:HID])
        fb = _sig(gb[:, HID:2 * HID])
        gg = jnp.tanh(gb[:, 2 * HID:3 * HID])
        ob = _sig(gb[:, 3 * HID:4 * HID])
        cb = fb * cb + ib * gg
        hb = ob * jnp.tanh(cb)
        hb_out[pl.ds(tb, 1), :] = hb
        return hf, cf, hb, cb

    carry = (hf_s[...], cf_s[...], hb_s[...], cb_s[...])
    hf, cf, hb, cb = lax.fori_loop(0, CHUNK, step, carry, unroll=4)
    hf_s[...] = hf
    cf_s[...] = cf
    hb_s[...] = hb
    cb_s[...] = cb


def _bilstm_scan(xf, xb, whfT, whbT):
    return pl.pallas_call(
        _scan_body,
        grid=(GRID,),
        in_specs=[
            pl.BlockSpec((CHUNK, 4 * HID), lambda i: (i, 0)),
            pl.BlockSpec((CHUNK, 4 * HID), lambda i: (GRID - 1 - i, 0)),
            pl.BlockSpec((HID, 4 * HID), lambda i: (0, 0)),
            pl.BlockSpec((HID, 4 * HID), lambda i: (0, 0)),
        ],
        out_specs=[
            pl.BlockSpec((CHUNK, HID), lambda i: (i, 0)),
            pl.BlockSpec((CHUNK, HID), lambda i: (GRID - 1 - i, 0)),
        ],
        out_shape=[
            jax.ShapeDtypeStruct((NN, HID), _f32),
            jax.ShapeDtypeStruct((NN, HID), _f32),
        ],
        scratch_shapes=[pltpu.VMEM((1, HID), _f32)] * 4,
    )(xf, xb, whfT, whbT)



def _pproj_body(hf_ref, hb_ref, w1a_ref, w1b_ref, w2p_ref, p_ref):
    wca = jnp.dot(w1a_ref[...], w2p_ref[...], preferred_element_type=_f32)
    wcb = jnp.dot(w1b_ref[...], w2p_ref[...], preferred_element_type=_f32)
    p_ref[...] = (jnp.dot(hf_ref[...], wca, preferred_element_type=_f32)
                  + jnp.dot(hb_ref[...], wcb, preferred_element_type=_f32))


def _pproj(hf, hb, w1a, w1b, w2p):
    return pl.pallas_call(
        _pproj_body,
        grid=(GRID,),
        in_specs=[
            pl.BlockSpec((CHUNK, HID), lambda i: (i, 0)),
            pl.BlockSpec((CHUNK, HID), lambda i: (i, 0)),
            pl.BlockSpec((HID, 4 * HID), lambda i: (0, 0)),
            pl.BlockSpec((HID, 4 * HID), lambda i: (0, 0)),
            pl.BlockSpec((4 * HID, HID), lambda i: (0, 0)),
        ],
        out_specs=pl.BlockSpec((CHUNK, HID), lambda i: (i, 0)),
        out_shape=jax.ShapeDtypeStruct((NN, HID), _f32),
    )(hf, hb, w1a, w1b, w2p)



def _sc_mesh():
    return plsc.VectorSubcoreMesh(core_axis_name="c", subcore_axis_name="s",
                                  num_cores=NC, num_subcores=NS)


def _zero_vmem(ref):
    def zstep(i, _):
        ref[pl.ds(i * VL, VL)] = jnp.zeros((VL,), _f32)
        return 0
    lax.fori_loop(0, NN // VL, zstep, 0)


def _deg_body(dst_hbm, out_hbm, idx_v, acc_v):
    wid = lax.axis_index("s") * NC + lax.axis_index("c")
    pltpu.sync_copy(dst_hbm.at[pl.ds(wid * EPW, EPW)], idx_v)
    _zero_vmem(acc_v)
    ones = jnp.ones((VL,), _f32)

    def step(i, _):
        d = idx_v[pl.ds(i * VL, VL)]
        plsc.addupdate_scatter(acc_v, [d], ones)
        return 0

    lax.fori_loop(0, EPW // VL, step, 0)
    pltpu.sync_copy(acc_v, out_hbm.at[wid])


def _sc_degree(dst):
    return pl.kernel(
        _deg_body,
        out_type=jax.ShapeDtypeStruct((NW, NN), _f32),
        mesh=_sc_mesh(),
        compiler_params=pltpu.CompilerParams(needs_layout_passes=False),
        scratch_types=[
            pltpu.VMEM((EPW,), jnp.int32),
            pltpu.VMEM((NN,), _f32),
        ],
    )(dst)


def _make_agg_body(nch):
    def body(src_hbm, dst_hbm, *rest):
        tabs_hbm = rest[:nch]
        dis_hbm = rest[nch]
        outs_hbm = rest[nch + 1:nch + 2 + nch]
        scr = rest[nch + 2 + nch:]
        src_v, dst_v = scr[0], scr[1]
        tab_v = scr[2:2 + nch]
        dis_v = scr[2 + nch]
        acc_v = scr[3 + nch:3 + nch + nch + 1]

        wid = lax.axis_index("s") * NC + lax.axis_index("c")
        pltpu.sync_copy(src_hbm.at[pl.ds(wid * EPW, EPW)], src_v)
        pltpu.sync_copy(dst_hbm.at[pl.ds(wid * EPW, EPW)], dst_v)
        for c in range(nch):
            pltpu.sync_copy(tabs_hbm[c], tab_v[c])
        pltpu.sync_copy(dis_hbm, dis_v)
        for a in acc_v:
            _zero_vmem(a)

        def step(i, _):
            s = src_v[pl.ds(i * VL, VL)]
            d = dst_v[pl.ds(i * VL, VL)]
            ds = plsc.load_gather(dis_v, [s])
            for c in range(nch):
                v = plsc.load_gather(tab_v[c], [s]) * ds
                plsc.addupdate_scatter(acc_v[c], [d], v)
            plsc.addupdate_scatter(acc_v[nch], [d], ds)
            return 0

        lax.fori_loop(0, EPW // VL, step, 0)
        for c in range(nch + 1):
            pltpu.sync_copy(acc_v[c], outs_hbm[c].at[wid])

    return body


def _sc_aggregate(src, dst, tabs, dis):
    nch = len(tabs)
    out_t = [jax.ShapeDtypeStruct((NW, NN), _f32)] * (nch + 1)
    scratch = ([pltpu.VMEM((EPW,), jnp.int32)] * 2
               + [pltpu.VMEM((NN,), _f32)] * (nch + 1)
               + [pltpu.VMEM((NN,), _f32)] * (nch + 1))
    return pl.kernel(
        _make_agg_body(nch),
        out_type=out_t,
        mesh=_sc_mesh(),
        compiler_params=pltpu.CompilerParams(needs_layout_passes=False),
        scratch_types=scratch,
    )(src, dst, *tabs, dis)



def _norm_body(degp_ref, dis_ref):
    deg = jnp.sum(degp_ref[...], axis=0, keepdims=True) + 1.0
    dis_ref[...] = lax.rsqrt(deg)


def _norm(degp):
    return pl.pallas_call(
        _norm_body,
        out_shape=jax.ShapeDtypeStruct((1, NN), _f32),
    )(degp)


def _mid_body(a0_ref, a1_ref, ar_ref, dis_ref, p0_ref, p1_ref,
              z0_ref, z1_ref, r_ref):
    d = dis_ref[...]
    d2 = d * d
    z0_ref[...] = jnp.sum(a0_ref[...], axis=0, keepdims=True) * d + p0_ref[...] * d2
    z1_ref[...] = jnp.sum(a1_ref[...], axis=0, keepdims=True) * d + p1_ref[...] * d2
    r_ref[...] = jnp.sum(ar_ref[...], axis=0, keepdims=True) * d + d2


def _mid(a0, a1, ar, dis, p0, p1):
    return pl.pallas_call(
        _mid_body,
        out_shape=[jax.ShapeDtypeStruct((1, NN), _f32)] * 3,
    )(a0, a1, ar, dis, p0, p1)


def _final_body(a0_ref, a1_ref, dis_ref, z0_ref, z1_ref, r_ref,
                b1_ref, w2p_ref, b2_ref, o0_ref, o1_ref):
    d = dis_ref[...]
    d2 = d * d
    bw = jnp.dot(b1_ref[...], w2p_ref[...], preferred_element_type=_f32)
    bw0 = bw[0:1, 0:1]
    bw1 = bw[0:1, 1:2]
    b20 = b2_ref[0:1, 0:1]
    b21 = b2_ref[0:1, 1:2]
    r = r_ref[...]
    y0 = (jnp.sum(a0_ref[...], axis=0, keepdims=True) * d + z0_ref[...] * d2
          + r * bw0 + b20)
    y1 = (jnp.sum(a1_ref[...], axis=0, keepdims=True) * d + z1_ref[...] * d2
          + r * bw1 + b21)
    m = jnp.maximum(y0, y1)
    lse = m + jnp.log(jnp.exp(y0 - m) + jnp.exp(y1 - m))
    o0_ref[...] = y0 - lse
    o1_ref[...] = y1 - lse


def _final(a0, a1, dis, z0, z1, r, b1row, w2p, b2row):
    return pl.pallas_call(
        _final_body,
        out_shape=[jax.ShapeDtypeStruct((1, NN), _f32)] * 2,
    )(a0, a1, dis, z0, z1, r, b1row, w2p, b2row)



def kernel(x, edge_index, lstm_params, W1, b1, W2, b2):
    p = lstm_params
    bf0 = (p["bih_l0_d0"] + p["bhh_l0_d0"]).reshape(1, 4 * HID)
    bb0 = (p["bih_l0_d1"] + p["bhh_l0_d1"]).reshape(1, 4 * HID)
    xf0, xb0 = _proj0(x, p["Wih_l0_d0"].T, p["Wih_l0_d1"].T, bf0, bb0)
    h0f, h0b = _bilstm_scan(xf0, xb0, p["Whh_l0_d0"].T, p["Whh_l0_d1"].T)

    wf1 = p["Wih_l1_d0"].T
    wb1 = p["Wih_l1_d1"].T
    bf1 = (p["bih_l1_d0"] + p["bhh_l1_d0"]).reshape(1, 4 * HID)
    bb1 = (p["bih_l1_d1"] + p["bhh_l1_d1"]).reshape(1, 4 * HID)
    xf1, xb1 = _proj1(h0f, h0b, wf1[:HID], wf1[HID:], wb1[:HID], wb1[HID:],
                      bf1, bb1)
    h1f, h1b = _bilstm_scan(xf1, xb1, p["Whh_l1_d0"].T, p["Whh_l1_d1"].T)

    w2p = jnp.pad(W2, ((0, 0), (0, HID - W2.shape[1])))
    pmat = _pproj(h1f, h1b, W1[:HID], W1[HID:], w2p)
    p0 = pmat[:, 0]
    p1 = pmat[:, 1]

    src = edge_index[0]
    dst = edge_index[1]
    degp = _sc_degree(dst)
    dis_row = _norm(degp)
    dis = dis_row.reshape(NN)
    a0, a1, ar = _sc_aggregate(src, dst, [p0, p1], dis)
    z0, z1, r = _mid(a0, a1, ar, dis_row, p0.reshape(1, NN), p1.reshape(1, NN))
    c0, c1, _ = _sc_aggregate(src, dst, [z0.reshape(NN), z1.reshape(NN)], dis)
    b2row = jnp.pad(b2, (0, HID - b2.shape[0])).reshape(1, HID)
    o0, o1 = _final(c0, c1, dis_row, z0, z1, r, b1.reshape(1, 4 * HID), w2p,
                    b2row)
    return jnp.concatenate([o0, o1], axis=0).T

# --- scband reference (transcript-rebuilt; emitter-appended) ---
"""Pipeline reference for scband-lstm-gcn-net-56891136803155 (READ-ONLY COPY).

The authoritative reference and input builder live on the scoring server;
editing this copy changes nothing except your own understanding.
"""

import jax, jax.numpy as jnp
import numpy as np

N = 10000
E = 320000
EMB = 128
H = 128
L = 2

def _init_lstm_params(key):
    params = {}
    k = key
    for l in range(L):
        in_dim = EMB if l == 0 else 2 * H
        for d in range(2):
            s = 1.0 / np.sqrt(H)
            k, k1, k2, k3, k4 = jax.random.split(k, 5)
            params[f"Wih_l{l}_d{d}"] = jax.random.uniform(k1, (4 * H, in_dim), minval=-s, maxval=s, dtype=jnp.float32)
            params[f"Whh_l{l}_d{d}"] = jax.random.uniform(k2, (4 * H, H), minval=-s, maxval=s, dtype=jnp.float32)
            params[f"bih_l{l}_d{d}"] = jax.random.uniform(k3, (4 * H,), minval=-s, maxval=s, dtype=jnp.float32)
            params[f"bhh_l{l}_d{d}"] = jax.random.uniform(k4, (4 * H,), minval=-s, maxval=s, dtype=jnp.float32)
    return params

def setup_inputs(seed: int = 0):
    key = jax.random.key(seed)
    kx, ke, kl, kw1, kw2 = jax.random.split(key, 5)
    x = jax.random.normal(kx, (N, EMB), dtype=jnp.float32)
    edge_index = jax.random.randint(ke, (2, E), 0, N, dtype=jnp.int32)
    lstm_params = _init_lstm_params(kl)
    s1 = 1.0 / np.sqrt(2 * H)
    W1 = jax.random.uniform(kw1, (2 * H, 4 * H), minval=-s1, maxval=s1, dtype=jnp.float32)
    b1 = jnp.zeros((4 * H,), dtype=jnp.float32)
    s2 = 1.0 / np.sqrt(4 * H)
    W2 = jax.random.uniform(kw2, (4 * H, 2), minval=-s2, maxval=s2, dtype=jnp.float32)
    b2 = jnp.zeros((2,), dtype=jnp.float32)
    return {"x": x, "edge_index": edge_index, "lstm_params": lstm_params, "W1": W1, "b1": b1, "W2": W2, "b2": b2}

def _lstm_dir(seq, Wih, Whh, bih, bhh, reverse):
    if reverse:
        seq = seq[::-1]
    def step(carry, xt):
        h, c = carry
        g = Wih @ xt + Whh @ h + bih + bhh
        i, f, gg, o = jnp.split(g, 4)
        i = jax.nn.sigmoid(i)
        f = jax.nn.sigmoid(f)
        gg = jnp.tanh(gg)
        o = jax.nn.sigmoid(o)
        c = f * c + i * gg
        h = o * jnp.tanh(c)
        return (h, c), h
    init = (jnp.zeros((H,), seq.dtype), jnp.zeros((H,), seq.dtype))
    _, hs = jax.lax.scan(step, init, seq)
    if reverse:
        hs = hs[::-1]
    return hs

def _bilstm(x, params):
    seq = x
    for l in range(L):
        fwd = _lstm_dir(seq, params[f"Wih_l{l}_d0"], params[f"Whh_l{l}_d0"], params[f"bih_l{l}_d0"], params[f"bhh_l{l}_d0"], False)
        bwd = _lstm_dir(seq, params[f"Wih_l{l}_d1"], params[f"Whh_l{l}_d1"], params[f"bih_l{l}_d1"], params[f"bhh_l{l}_d1"], True)
        seq = jnp.concatenate([fwd, bwd], axis=-1)
    return seq

def _gcn(h, src, dst, W, b, n):
    hw = h @ W
    deg = jnp.zeros((n,), hw.dtype).at[dst].add(1.0)
    dis = jnp.where(deg > 0, deg ** -0.5, 0.0)
    norm = dis[src] * dis[dst]
    out = jnp.zeros((n, hw.shape[1]), hw.dtype).at[dst].add(hw[src] * norm[:, None])
    return out + b

def reference(x, edge_index, lstm_params, W1, b1, W2, b2):
    n = x.shape[0]
    loop = jnp.arange(n, dtype=edge_index.dtype)
    src = jnp.concatenate([edge_index[0], loop])
    dst = jnp.concatenate([edge_index[1], loop])
    h = _bilstm(x, lstm_params)
    h = _gcn(h, src, dst, W1, b1, n)
    # dropout is identity in eval mode
    h = _gcn(h, src, dst, W2, b2, n)
    return jax.nn.log_softmax(h, axis=1)

if __name__ == "__main__":
    import jax
    _d = setup_inputs()
    print(jax.jit(kernel)(*tuple(_d.values())))

</pallas_src>

<mosaic_0001>
#map = affine_map<(d0, d1) -> (0)>
#map1 = affine_map<(d0, d1) -> (0, 0)>
module attributes {stable_mosaic.version = 14 : i64} {
  func.func @_deg_body(%arg0: i32, %arg1: i32, %arg2: memref<320000xi32, #tpu.memory_space<hbm>>, %arg3: memref<32x10000xf32, #tpu.memory_space<hbm>>, %arg4: memref<10000xi32, #tpu.memory_space<vmem>>, %arg5: memref<10000xf32, #tpu.memory_space<vmem>>) attributes {dimension_semantics = [#tpu.dimension_semantics<core_parallel>, #tpu.dimension_semantics<subcore_parallel>], iteration_bounds = array<i64: 2, 16>, scalar_prefetch = 0 : i64, scratch_operands = 2 : i64, tpu.core_type = #tpu.core_type<sc_vector_subcore>, window_params = [{transform_indices = #map}, {transform_indices = #map1}]} {
    %mul3A = arith.constant 2 : i32
    %mul3A_0 = arith.muli %arg1, %mul3A : i32
    %add3A = arith.addi %mul3A_0, %arg0 : i32
    %mul3A_1 = arith.constant 10000 : i32
    %mul3A_2 = arith.muli %add3A, %mul3A_1 : i32
    "tpu.region"() ({
      %run_scoped3A = tpu.sem_alloc : memref<!tpu.dma_semaphore, #tpu.memory_space<semaphore_mem>>
      %dma_start3A = tpu.memref_slice %arg2[%mul3A_2] : memref<320000xi32, #tpu.memory_space<hbm>> -> memref<10000xi32, #tpu.memory_space<hbm>>
      %dma_start3A_17 = tpu.memref_slice %arg2[%mul3A_2] : memref<320000xi32, #tpu.memory_space<hbm>> -> memref<10000xi32, #tpu.memory_space<hbm>>
      tpu.enqueue_dma source(%dma_start3A_17 : memref<10000xi32, #tpu.memory_space<hbm>>) target(%arg4 : memref<10000xi32, #tpu.memory_space<vmem>>) target_semaphore(%run_scoped3A : memref<!tpu.dma_semaphore, #tpu.memory_space<semaphore_mem>>)
      %dma_wait3A = tpu.memref_slice %arg2[%mul3A_2] : memref<320000xi32, #tpu.memory_space<hbm>> -> memref<10000xi32, #tpu.memory_space<hbm>>
      %dma_wait3A_18 = tpu.memref_slice %arg2[%mul3A_2] : memref<320000xi32, #tpu.memory_space<hbm>> -> memref<10000xi32, #tpu.memory_space<hbm>>
      tpu.wait_dma2 semaphore(%run_scoped3A : memref<!tpu.dma_semaphore, #tpu.memory_space<semaphore_mem>>) src(%dma_wait3A_18 : memref<10000xi32, #tpu.memory_space<hbm>>) dst(%arg4 : memref<10000xi32, #tpu.memory_space<vmem>>)
      tpu.yield
    }) : () -> ()
    %scan3A = arith.constant 0 : i32
    %scan3A_3 = arith.constant 0 : i32
    %scan3A_4 = arith.constant 625 : i32
    %scan3A_5 = arith.addi %scan3A_3, %scan3A_4 : i32
    %scan3A_6 = arith.constant 1 : i32
    %scan3A_7 = scf.for %scan3A_17 = %scan3A_3 to %scan3A_5 step %scan3A_6 iter_args(%scan3A_18 = %scan3A) -> (i32)  : i32 {
      %broadcast_in_dim3A_19 = arith.constant 0.000000e+00 : f32
      %broadcast_in_dim3A_20 = vector.broadcast %broadcast_in_dim3A_19 : f32 to vector<16xf32>
      %mul3A_21 = arith.constant 16 : i32
      %mul3A_22 = arith.muli %scan3A_17, %mul3A_21 : i32
      %swap3A = arith.index_cast %mul3A_22 : i32 to index
      %swap3A_23 = tpu.vector_load %arg5[%swap3A] {strides = array<i32>} : memref<10000xf32, #tpu.memory_space<vmem>>, vector<16xf32>,
      tpu.vector_store %arg5[%swap3A], %broadcast_in_dim3A_20 {strides = array<i32>} : memref<10000xf32, #tpu.memory_space<vmem>>, vector<16xf32>,
      %scan3A_24 = arith.constant 0 : i32
      scf.yield %scan3A_24 : i32
    }
    %scan3A_8 = arith.constant 625 : i32
    %broadcast_in_dim3A = arith.constant 1.000000e+00 : f32
    %broadcast_in_dim3A_9 = vector.broadcast %broadcast_in_dim3A : f32 to vector<16xf32>
    %scan3A_10 = arith.constant 0 : i32
    %scan3A_11 = arith.constant 0 : i32
    %scan3A_12 = arith.constant 625 : i32
    %scan3A_13 = arith.addi %scan3A_11, %scan3A_12 : i32
    %scan3A_14 = arith.constant 1 : i32
    %scan3A_15 = scf.for %scan3A_17 = %scan3A_11 to %scan3A_13 step %scan3A_14 iter_args(%scan3A_18 = %scan3A_10) -> (i32)  : i32 {
      %mul3A_19 = arith.constant 16 : i32
      %mul3A_20 = arith.muli %scan3A_17, %mul3A_19 : i32
      %get3A = arith.index_cast %mul3A_20 : i32 to index
      %get3A_21 = tpu.vector_load %arg4[%get3A] {strides = array<i32>} : memref<10000xi32, #tpu.memory_space<vmem>>, vector<16xi32>,
      tpu.vector_store_idx %arg5[%get3A_21], %broadcast_in_dim3A_9 {add = true} : memref<10000xf32, #tpu.memory_space<vmem>>[vector<16xi32>], vector<16xf32>,
      %scan3A_22 = arith.constant 0 : i32
      scf.yield %scan3A_22 : i32
    }
    %scan3A_16 = arith.constant 625 : i32
    "tpu.region"() ({
      %run_scoped3A = tpu.sem_alloc : memref<!tpu.dma_semaphore, #tpu.memory_space<semaphore_mem>>
      %dma_start3A = arith.constant 0 : i32
      %dma_start3A_17 = tpu.memref_slice %arg3[%add3A, %dma_start3A] : memref<32x10000xf32, #tpu.memory_space<hbm>> -> memref<1x10000xf32, #tpu.memory_space<hbm>>
      %dma_start3A_18 = tpu.memref_squeeze %dma_start3A_17 : memref<1x10000xf32, #tpu.memory_space<hbm>> -> memref<10000xf32, #tpu.memory_space<hbm>>
      %dma_start3A_19 = arith.constant 0 : i32
      %dma_start3A_20 = tpu.memref_slice %arg3[%add3A, %dma_start3A_19] : memref<32x10000xf32, #tpu.memory_space<hbm>> -> memref<1x10000xf32, #tpu.memory_space<hbm>>
      %dma_start3A_21 = tpu.memref_squeeze %dma_start3A_20 : memref<1x10000xf32, #tpu.memory_space<hbm>> -> memref<10000xf32, #tpu.memory_space<hbm>>
      tpu.enqueue_dma source(%arg5 : memref<10000xf32, #tpu.memory_space<vmem>>) target(%dma_start3A_21 : memref<10000xf32, #tpu.memory_space<hbm>>) target_semaphore(%run_scoped3A : memref<!tpu.dma_semaphore, #tpu.memory_space<semaphore_mem>>)
      %dma_wait3A = arith.constant 0 : i32
      %dma_wait3A_22 = tpu.memref_slice %arg3[%add3A, %dma_wait3A] : memref<32x10000xf32, #tpu.memory_space<hbm>> -> memref<1x10000xf32, #tpu.memory_space<hbm>>
      %dma_wait3A_23 = tpu.memref_squeeze %dma_wait3A_22 : memref<1x10000xf32, #tpu.memory_space<hbm>> -> memref<10000xf32, #tpu.memory_space<hbm>>
      %dma_wait3A_24 = arith.constant 0 : i32
      %dma_wait3A_25 = tpu.memref_slice %arg3[%add3A, %dma_wait3A_24] : memref<32x10000xf32, #tpu.memory_space<hbm>> -> memref<1x10000xf32, #tpu.memory_space<hbm>>
      %dma_wait3A_26 = tpu.memref_squeeze %dma_wait3A_25 : memref<1x10000xf32, #tpu.memory_space<hbm>> -> memref<10000xf32, #tpu.memory_space<hbm>>
      tpu.wait_dma2 semaphore(%run_scoped3A : memref<!tpu.dma_semaphore, #tpu.memory_space<semaphore_mem>>) src(%arg5 : memref<10000xf32, #tpu.memory_space<vmem>>) dst(%dma_wait3A_26 : memref<10000xf32, #tpu.memory_space<hbm>>)
      tpu.yield
    }) : () -> ()
    return
  }
}

#map = affine_map<(d0, d1) -> (0)>
#map1 = affine_map<(d0, d1) -> (0, 0)>
module attributes {stable_mosaic.version = 14 : i64} {
  func.func @body(%arg0: i32, %arg1: i32, %arg2: memref<320000xi32, #tpu.memory_space<hbm>>, %arg3: memref<320000xi32, #tpu.memory_space<hbm>>, %arg4: memref<10000xf32, #tpu.memory_space<hbm>>, %arg5: memref<10000xf32, #tpu.memory_space<hbm>>, %arg6: memref<10000xf32, #tpu.memory_space<hbm>>, %arg7: memref<32x10000xf32, #tpu.memory_space<hbm>>, %arg8: memref<32x10000xf32, #tpu.memory_space<hbm>>, %arg9: memref<32x10000xf32, #tpu.memory_space<hbm>>, %arg10: memref<10000xi32, #tpu.memory_space<vmem>>, %arg11: memref<10000xi32, #tpu.memory_space<vmem>>, %arg12: memref<10000xf32, #tpu.memory_space<vmem>>, %arg13: memref<10000xf32, #tpu.memory_space<vmem>>, %arg14: memref<10000xf32, #tpu.memory_space<vmem>>, %arg15: memref<10000xf32, #tpu.memory_space<vmem>>, %arg16: memref<10000xf32, #tpu.memory_space<vmem>>, %arg17: memref<10000xf32, #tpu.memory_space<vmem>>) attributes {dimension_semantics = [#tpu.dimension_semantics<core_parallel>, #tpu.dimension_semantics<subcore_parallel>], iteration_bounds = array<i64: 2, 16>, scalar_prefetch = 0 : i64, scratch_operands = 8 : i64, tpu.core_type = #tpu.core_type<sc_vector_subcore>, window_params = [{transform_indices = #map}, {transform_indices = #map}, {transform_indices = #map}, {transform_indices = #map}, {transform_indices = #map}, {transform_indices = #map1}, {transform_indices = #map1}, {transform_indices = #map1}]} {
    %mul3A = arith.constant 2 : i32
    %mul3A_0 = arith.muli %arg1, %mul3A : i32
    %add3A = arith.addi %mul3A_0, %arg0 : i32
    %mul3A_1 = arith.constant 10000 : i32
    %mul3A_2 = arith.muli %add3A, %mul3A_1 : i32
    "tpu.region"() ({
      %run_scoped3A = tpu.sem_alloc : memref<!tpu.dma_semaphore, #tpu.memory_space<semaphore_mem>>
      %dma_start3A = tpu.memref_slice %arg2[%mul3A_2] : memref<320000xi32, #tpu.memory_space<hbm>> -> memref<10000xi32, #tpu.memory_space<hbm>>
      %dma_start3A_32 = tpu.memref_slice %arg2[%mul3A_2] : memref<320000xi32, #tpu.memory_space<hbm>> -> memref<10000xi32, #tpu.memory_space<hbm>>
      tpu.enqueue_dma source(%dma_start3A_32 : memref<10000xi32, #tpu.memory_space<hbm>>) target(%arg10 : memref<10000xi32, #tpu.memory_space<vmem>>) target_semaphore(%run_scoped3A : memref<!tpu.dma_semaphore, #tpu.memory_space<semaphore_mem>>)
      %dma_wait3A = tpu.memref_slice %arg2[%mul3A_2] : memref<320000xi32, #tpu.memory_space<hbm>> -> memref<10000xi32, #tpu.memory_space<hbm>>
      %dma_wait3A_33 = tpu.memref_slice %arg2[%mul3A_2] : memref<320000xi32, #tpu.memory_space<hbm>> -> memref<10000xi32, #tpu.memory_space<hbm>>
      tpu.wait_dma2 semaphore(%run_scoped3A : memref<!tpu.dma_semaphore, #tpu.memory_space<semaphore_mem>>) src(%dma_wait3A_33 : memref<10000xi32, #tpu.memory_space<hbm>>) dst(%arg10 : memref<10000xi32, #tpu.memory_space<vmem>>)
      tpu.yield
    }) : () -> ()
    %mul3A_3 = arith.constant 10000 : i32
    %mul3A_4 = arith.muli %add3A, %mul3A_3 : i32
    "tpu.region"() ({
      %run_scoped3A = tpu.sem_alloc : memref<!tpu.dma_semaphore, #tpu.memory_space<semaphore_mem>>
      %dma_start3A = tpu.memref_slice %arg3[%mul3A_4] : memref<320000xi32, #tpu.memory_space<hbm>> -> memref<10000xi32, #tpu.memory_space<hbm>>
      %dma_start3A_32 = tpu.memref_slice %arg3[%mul3A_4] : memref<320000xi32, #tpu.memory_space<hbm>> -> memref<10000xi32, #tpu.memory_space<hbm>>
      tpu.enqueue_dma source(%dma_start3A_32 : memref<10000xi32, #tpu.memory_space<hbm>>) target(%arg11 : memref<10000xi32, #tpu.memory_space<vmem>>) target_semaphore(%run_scoped3A : memref<!tpu.dma_semaphore, #tpu.memory_space<semaphore_mem>>)
      %dma_wait3A = tpu.memref_slice %arg3[%mul3A_4] : memref<320000xi32, #tpu.memory_space<hbm>> -> memref<10000xi32, #tpu.memory_space<hbm>>
      %dma_wait3A_33 = tpu.memref_slice %arg3[%mul3A_4] : memref<320000xi32, #tpu.memory_space<hbm>> -> memref<10000xi32, #tpu.memory_space<hbm>>
      tpu.wait_dma2 semaphore(%run_scoped3A : memref<!tpu.dma_semaphore, #tpu.memory_space<semaphore_mem>>) src(%dma_wait3A_33 : memref<10000xi32, #tpu.memory_space<hbm>>) dst(%arg11 : memref<10000xi32, #tpu.memory_space<vmem>>)
      tpu.yield
    }) : () -> ()
    "tpu.region"() ({
      %run_scoped3A = tpu.sem_alloc : memref<!tpu.dma_semaphore, #tpu.memory_space<semaphore_mem>>
      tpu.enqueue_dma source(%arg4 : memref<10000xf32, #tpu.memory_space<hbm>>) target(%arg12 : memref<10000xf32, #tpu.memory_space<vmem>>) target_semaphore(%run_scoped3A : memref<!tpu.dma_semaphore, #tpu.memory_space<semaphore_mem>>)
      tpu.wait_dma2 semaphore(%run_scoped3A : memref<!tpu.dma_semaphore, #tpu.memory_space<semaphore_mem>>) src(%arg4 : memref<10000xf32, #tpu.memory_space<hbm>>) dst(%arg12 : memref<10000xf32, #tpu.memory_space<vmem>>)
      tpu.yield
    }) : () -> ()
    "tpu.region"() ({
      %run_scoped3A = tpu.sem_alloc : memref<!tpu.dma_semaphore, #tpu.memory_space<semaphore_mem>>
      tpu.enqueue_dma source(%arg5 : memref<10000xf32, #tpu.memory_space<hbm>>) target(%arg13 : memref<10000xf32, #tpu.memory_space<vmem>>) target_semaphore(%run_scoped3A : memref<!tpu.dma_semaphore, #tpu.memory_space<semaphore_mem>>)
      tpu.wait_dma2 semaphore(%run_scoped3A : memref<!tpu.dma_semaphore, #tpu.memory_space<semaphore_mem>>) src(%arg5 : memref<10000xf32, #tpu.memory_space<hbm>>) dst(%arg13 : memref<10000xf32, #tpu.memory_space<vmem>>)
      tpu.yield
    }) : () -> ()
    "tpu.region"() ({
      %run_scoped3A = tpu.sem_alloc : memref<!tpu.dma_semaphore, #tpu.memory_space<semaphore_mem>>
      tpu.enqueue_dma source(%arg6 : memref<10000xf32, #tpu.memory_space<hbm>>) target(%arg14 : memref<10000xf32, #tpu.memory_space<vmem>>) target_semaphore(%run_scoped3A : memref<!tpu.dma_semaphore, #tpu.memory_space<semaphore_mem>>)
      tpu.wait_dma2 semaphore(%run_scoped3A : memref<!tpu.dma_semaphore, #tpu.memory_space<semaphore_mem>>) src(%arg6 : memref<10000xf32, #tpu.memory_space<hbm>>) dst(%arg14 : memref<10000xf32, #tpu.memory_space<vmem>>)
      tpu.yield
    }) : () -> ()
    %scan3A = arith.constant 0 : i32
    %scan3A_5 = arith.constant 0 : i32
    %scan3A_6 = arith.constant 625 : i32
    %scan3A_7 = arith.addi %scan3A_5, %scan3A_6 : i32
    %scan3A_8 = arith.constant 1 : i32
    %scan3A_9 = scf.for %scan3A_32 = %scan3A_5 to %scan3A_7 step %scan3A_8 iter_args(%scan3A_33 = %scan3A) -> (i32)  : i32 {
      %broadcast_in_dim3A = arith.constant 0.000000e+00 : f32
      %broadcast_in_dim3A_34 = vector.broadcast %broadcast_in_dim3A : f32 to vector<16xf32>
      %mul3A_35 = arith.constant 16 : i32
      %mul3A_36 = arith.muli %scan3A_32, %mul3A_35 : i32
      %swap3A = arith.index_cast %mul3A_36 : i32 to index
      %swap3A_37 = tpu.vector_load %arg15[%swap3A] {strides = array<i32>} : memref<10000xf32, #tpu.memory_space<vmem>>, vector<16xf32>,
      tpu.vector_store %arg15[%swap3A], %broadcast_in_dim3A_34 {strides = array<i32>} : memref<10000xf32, #tpu.memory_space<vmem>>, vector<16xf32>,
      %scan3A_38 = arith.constant 0 : i32
      scf.yield %scan3A_38 : i32
    }
    %scan3A_10 = arith.constant 625 : i32
    %scan3A_11 = arith.constant 0 : i32
    %scan3A_12 = arith.constant 0 : i32
    %scan3A_13 = arith.constant 625 : i32
    %scan3A_14 = arith.addi %scan3A_12, %scan3A_13 : i32
    %scan3A_15 = arith.constant 1 : i32
    %scan3A_16 = scf.for %scan3A_32 = %scan3A_12 to %scan3A_14 step %scan3A_15 iter_args(%scan3A_33 = %scan3A_11) -> (i32)  : i32 {
      %broadcast_in_dim3A = arith.constant 0.000000e+00 : f32
      %broadcast_in_dim3A_34 = vector.broadcast %broadcast_in_dim3A : f32 to vector<16xf32>
      %mul3A_35 = arith.constant 16 : i32
      %mul3A_36 = arith.muli %scan3A_32, %mul3A_35 : i32
      %swap3A = arith.index_cast %mul3A_36 : i32 to index
      %swap3A_37 = tpu.vector_load %arg16[%swap3A] {strides = array<i32>} : memref<10000xf32, #tpu.memory_space<vmem>>, vector<16xf32>,
      tpu.vector_store %arg16[%swap3A], %broadcast_in_dim3A_34 {strides = array<i32>} : memref<10000xf32, #tpu.memory_space<vmem>>, vector<16xf32>,
      %scan3A_38 = arith.constant 0 : i32
      scf.yield %scan3A_38 : i32
    }
    %scan3A_17 = arith.constant 625 : i32
    %scan3A_18 = arith.constant 0 : i32
    %scan3A_19 = arith.constant 0 : i32
    %scan3A_20 = arith.constant 625 : i32
    %scan3A_21 = arith.addi %scan3A_19, %scan3A_20 : i32
    %scan3A_22 = arith.constant 1 : i32
    %scan3A_23 = scf.for %scan3A_32 = %scan3A_19 to %scan3A_21 step %scan3A_22 iter_args(%scan3A_33 = %scan3A_18) -> (i32)  : i32 {
      %broadcast_in_dim3A = arith.constant 0.000000e+00 : f32
      %broadcast_in_dim3A_34 = vector.broadcast %broadcast_in_dim3A : f32 to vector<16xf32>
      %mul3A_35 = arith.constant 16 : i32
      %mul3A_36 = arith.muli %scan3A_32, %mul3A_35 : i32
      %swap3A = arith.index_cast %mul3A_36 : i32 to index
      %swap3A_37 = tpu.vector_load %arg17[%swap3A] {strides = array<i32>} : memref<10000xf32, #tpu.memory_space<vmem>>, vector<16xf32>,
      tpu.vector_store %arg17[%swap3A], %broadcast_in_dim3A_34 {strides = array<i32>} : memref<10000xf32, #tpu.memory_space<vmem>>, vector<16xf32>,
      %scan3A_38 = arith.constant 0 : i32
      scf.yield %scan3A_38 : i32
    }
    %scan3A_24 = arith.constant 625 : i32
    %scan3A_25 = arith.constant 0 : i32
    %scan3A_26 = arith.constant 0 : i32
    %scan3A_27 = arith.constant 625 : i32
    %scan3A_28 = arith.addi %scan3A_26, %scan3A_27 : i32
    %scan3A_29 = arith.constant 1 : i32
    %scan3A_30 = scf.for %scan3A_32 = %scan3A_26 to %scan3A_28 step %scan3A_29 iter_args(%scan3A_33 = %scan3A_25) -> (i32)  : i32 {
      %mul3A_34 = arith.constant 16 : i32
      %mul3A_35 = arith.muli %scan3A_32, %mul3A_34 : i32
      %get3A = arith.index_cast %mul3A_35 : i32 to index
      %get3A_36 = tpu.vector_load %arg10[%get3A] {strides = array<i32>} : memref<10000xi32, #tpu.memory_space<vmem>>, vector<16xi32>,
      %mul3A_37 = arith.constant 16 : i32
      %mul3A_38 = arith.muli %scan3A_32, %mul3A_37 : i32
      %get3A_39 = arith.index_cast %mul3A_38 : i32 to index
      %get3A_40 = tpu.vector_load %arg11[%get3A_39] {strides = array<i32>} : memref<10000xi32, #tpu.memory_space<vmem>>, vector<16xi32>,
      %gather3A = tpu.vector_load_idx %arg14[%get3A_36] : memref<10000xf32, #tpu.memory_space<vmem>>[vector<16xi32>], vector<16xf32>,
      %gather3A_41 = tpu.vector_load_idx %arg12[%get3A_36] : memref<10000xf32, #tpu.memory_space<vmem>>[vector<16xi32>], vector<16xf32>,
      %mul3A_42 = arith.mulf %gather3A_41, %gather3A : vector<16xf32>
      tpu.vector_store_idx %arg15[%get3A_40], %mul3A_42 {add = true} : memref<10000xf32, #tpu.memory_space<vmem>>[vector<16xi32>], vector<16xf32>,
      %gather3A_43 = tpu.vector_load_idx %arg13[%get3A_36] : memref<10000xf32, #tpu.memory_space<vmem>>[vector<16xi32>], vector<16xf32>,
      %mul3A_44 = arith.mulf %gather3A_43, %gather3A : vector<16xf32>
      tpu.vector_store_idx %arg16[%get3A_40], %mul3A_44 {add = true} : memref<10000xf32, #tpu.memory_space<vmem>>[vector<16xi32>], vector<16xf32>,
      tpu.vector_store_idx %arg17[%get3A_40], %gather3A {add = true} : memref<10000xf32, #tpu.memory_space<vmem>>[vector<16xi32>], vector<16xf32>,
      %scan3A_45 = arith.constant 0 : i32
      scf.yield %scan3A_45 : i32
    }
    %scan3A_31 = arith.constant 625 : i32
    "tpu.region"() ({
      %run_scoped3A = tpu.sem_alloc : memref<!tpu.dma_semaphore, #tpu.memory_space<semaphore_mem>>
      %dma_start3A = arith.constant 0 : i32
      %dma_start3A_32 = tpu.memref_slice %arg7[%add3A, %dma_start3A] : memref<32x10000xf32, #tpu.memory_space<hbm>> -> memref<1x10000xf32, #tpu.memory_space<hbm>>
      %dma_start3A_33 = tpu.memref_squeeze %dma_start3A_32 : memref<1x10000xf32, #tpu.memory_space<hbm>> -> memref<10000xf32, #tpu.memory_space<hbm>>
      %dma_start3A_34 = arith.constant 0 : i32
      %dma_start3A_35 = tpu.memref_slice %arg7[%add3A, %dma_start3A_34] : memref<32x10000xf32, #tpu.memory_space<hbm>> -> memref<1x10000xf32, #tpu.memory_space<hbm>>
      %dma_start3A_36 = tpu.memref_squeeze %dma_start3A_35 : memref<1x10000xf32, #tpu.memory_space<hbm>> -> memref<10000xf32, #tpu.memory_space<hbm>>
      tpu.enqueue_dma source(%arg15 : memref<10000xf32, #tpu.memory_space<vmem>>) target(%dma_start3A_36 : memref<10000xf32, #tpu.memory_space<hbm>>) target_semaphore(%run_scoped3A : memref<!tpu.dma_semaphore, #tpu.memory_space<semaphore_mem>>)
      %dma_wait3A = arith.constant 0 : i32
      %dma_wait3A_37 = tpu.memref_slice %arg7[%add3A, %dma_wait3A] : memref<32x10000xf32, #tpu.memory_space<hbm>> -> memref<1x10000xf32, #tpu.memory_space<hbm>>
      %dma_wait3A_38 = tpu.memref_squeeze %dma_wait3A_37 : memref<1x10000xf32, #tpu.memory_space<hbm>> -> memref<10000xf32, #tpu.memory_space<hbm>>
      %dma_wait3A_39 = arith.constant 0 : i32
      %dma_wait3A_40 = tpu.memref_slice %arg7[%add3A, %dma_wait3A_39] : memref<32x10000xf32, #tpu.memory_space<hbm>> -> memref<1x10000xf32, #tpu.memory_space<hbm>>
      %dma_wait3A_41 = tpu.memref_squeeze %dma_wait3A_40 : memref<1x10000xf32, #tpu.memory_space<hbm>> -> memref<10000xf32, #tpu.memory_space<hbm>>
      tpu.wait_dma2 semaphore(%run_scoped3A : memref<!tpu.dma_semaphore, #tpu.memory_space<semaphore_mem>>) src(%arg15 : memref<10000xf32, #tpu.memory_space<vmem>>) dst(%dma_wait3A_41 : memref<10000xf32, #tpu.memory_space<hbm>>)
      tpu.yield
    }) : () -> ()
    "tpu.region"() ({
      %run_scoped3A = tpu.sem_alloc : memref<!tpu.dma_semaphore, #tpu.memory_space<semaphore_mem>>
      %dma_start3A = arith.constant 0 : i32
      %dma_start3A_32 = tpu.memref_slice %arg8[%add3A, %dma_start3A] : memref<32x10000xf32, #tpu.memory_space<hbm>> -> memref<1x10000xf32, #tpu.memory_space<hbm>>
      %dma_start3A_33 = tpu.memref_squeeze %dma_start3A_32 : memref<1x10000xf32, #tpu.memory_space<hbm>> -> memref<10000xf32, #tpu.memory_space<hbm>>
      %dma_start3A_34 = arith.constant 0 : i32
      %dma_start3A_35 = tpu.memref_slice %arg8[%add3A, %dma_start3A_34] : memref<32x10000xf32, #tpu.memory_space<hbm>> -> memref<1x10000xf32, #tpu.memory_space<hbm>>
      %dma_start3A_36 = tpu.memref_squeeze %dma_start3A_35 : memref<1x10000xf32, #tpu.memory_space<hbm>> -> memref<10000xf32, #tpu.memory_space<hbm>>
      tpu.enqueue_dma source(%arg16 : memref<10000xf32, #tpu.memory_space<vmem>>) target(%dma_start3A_36 : memref<10000xf32, #tpu.memory_space<hbm>>) target_semaphore(%run_scoped3A : memref<!tpu.dma_semaphore, #tpu.memory_space<semaphore_mem>>)
      %dma_wait3A = arith.constant 0 : i32
      %dma_wait3A_37 = tpu.memref_slice %arg8[%add3A, %dma_wait3A] : memref<32x10000xf32, #tpu.memory_space<hbm>> -> memref<1x10000xf32, #tpu.memory_space<hbm>>
      %dma_wait3A_38 = tpu.memref_squeeze %dma_wait3A_37 : memref<1x10000xf32, #tpu.memory_space<hbm>> -> memref<10000xf32, #tpu.memory_space<hbm>>
      %dma_wait3A_39 = arith.constant 0 : i32
      %dma_wait3A_40 = tpu.memref_slice %arg8[%add3A, %dma_wait3A_39] : memref<32x10000xf32, #tpu.memory_space<hbm>> -> memref<1x10000xf32, #tpu.memory_space<hbm>>
      %dma_wait3A_41 = tpu.memref_squeeze %dma_wait3A_40 : memref<1x10000xf32, #tpu.memory_space<hbm>> -> memref<10000xf32, #tpu.memory_space<hbm>>
      tpu.wait_dma2 semaphore(%run_scoped3A : memref<!tpu.dma_semaphore, #tpu.memory_space<semaphore_mem>>) src(%arg16 : memref<10000xf32, #tpu.memory_space<vmem>>) dst(%dma_wait3A_41 : memref<10000xf32, #tpu.memory_space<hbm>>)
      tpu.yield
    }) : () -> ()
    "tpu.region"() ({
      %run_scoped3A = tpu.sem_alloc : memref<!tpu.dma_semaphore, #tpu.memory_space<semaphore_mem>>
      %dma_start3A = arith.constant 0 : i32
      %dma_start3A_32 = tpu.memref_slice %arg9[%add3A, %dma_start3A] : memref<32x10000xf32, #tpu.memory_space<hbm>> -> memref<1x10000xf32, #tpu.memory_space<hbm>>
      %dma_start3A_33 = tpu.memref_squeeze %dma_start3A_32 : memref<1x10000xf32, #tpu.memory_space<hbm>> -> memref<10000xf32, #tpu.memory_space<hbm>>
      %dma_start3A_34 = arith.constant 0 : i32
      %dma_start3A_35 = tpu.memref_slice %arg9[%add3A, %dma_start3A_34] : memref<32x10000xf32, #tpu.memory_space<hbm>> -> memref<1x10000xf32, #tpu.memory_space<hbm>>
      %dma_start3A_36 = tpu.memref_squeeze %dma_start3A_35 : memref<1x10000xf32, #tpu.memory_space<hbm>> -> memref<10000xf32, #tpu.memory_space<hbm>>
      tpu.enqueue_dma source(%arg17 : memref<10000xf32, #tpu.memory_space<vmem>>) target(%dma_start3A_36 : memref<10000xf32, #tpu.memory_space<hbm>>) target_semaphore(%run_scoped3A : memref<!tpu.dma_semaphore, #tpu.memory_space<semaphore_mem>>)
      %dma_wait3A = arith.constant 0 : i32
      %dma_wait3A_37 = tpu.memref_slice %arg9[%add3A, %dma_wait3A] : memref<32x10000xf32, #tpu.memory_space<hbm>> -> memref<1x10000xf32, #tpu.memory_space<hbm>>
      %dma_wait3A_38 = tpu.memref_squeeze %dma_wait3A_37 : memref<1x10000xf32, #tpu.memory_space<hbm>> -> memref<10000xf32, #tpu.memory_space<hbm>>
      %dma_wait3A_39 = arith.constant 0 : i32
      %dma_wait3A_40 = tpu.memref_slice %arg9[%add3A, %dma_wait3A_39] : memref<32x10000xf32, #tpu.memory_space<hbm>> -> memref<1x10000xf32, #tpu.memory_space<hbm>>
      %dma_wait3A_41 = tpu.memref_squeeze %dma_wait3A_40 : memref<1x10000xf32, #tpu.memory_space<hbm>> -> memref<10000xf32, #tpu.memory_space<hbm>>
      tpu.wait_dma2 semaphore(%run_scoped3A : memref<!tpu.dma_semaphore, #tpu.memory_space<semaphore_mem>>) src(%arg17 : memref<10000xf32, #tpu.memory_space<vmem>>) dst(%dma_wait3A_41 : memref<10000xf32, #tpu.memory_space<hbm>>)
      tpu.yield
    }) : () -> ()
    return
  }
}

#map = affine_map<(d0, d1) -> (0)>
#map1 = affine_map<(d0, d1) -> (0, 0)>
module attributes {stable_mosaic.version = 14 : i64} {
  func.func @body(%arg0: i32, %arg1: i32, %arg2: memref<320000xi32, #tpu.memory_space<hbm>>, %arg3: memref<320000xi32, #tpu.memory_space<hbm>>, %arg4: memref<10000xf32, #tpu.memory_space<hbm>>, %arg5: memref<10000xf32, #tpu.memory_space<hbm>>, %arg6: memref<10000xf32, #tpu.memory_space<hbm>>, %arg7: memref<32x10000xf32, #tpu.memory_space<hbm>>, %arg8: memref<32x10000xf32, #tpu.memory_space<hbm>>, %arg9: memref<32x10000xf32, #tpu.memory_space<hbm>>, %arg10: memref<10000xi32, #tpu.memory_space<vmem>>, %arg11: memref<10000xi32, #tpu.memory_space<vmem>>, %arg12: memref<10000xf32, #tpu.memory_space<vmem>>, %arg13: memref<10000xf32, #tpu.memory_space<vmem>>, %arg14: memref<10000xf32, #tpu.memory_space<vmem>>, %arg15: memref<10000xf32, #tpu.memory_space<vmem>>, %arg16: memref<10000xf32, #tpu.memory_space<vmem>>, %arg17: memref<10000xf32, #tpu.memory_space<vmem>>) attributes {dimension_semantics = [#tpu.dimension_semantics<core_parallel>, #tpu.dimension_semantics<subcore_parallel>], iteration_bounds = array<i64: 2, 16>, scalar_prefetch = 0 : i64, scratch_operands = 8 : i64, tpu.core_type = #tpu.core_type<sc_vector_subcore>, window_params = [{transform_indices = #map}, {transform_indices = #map}, {transform_indices = #map}, {transform_indices = #map}, {transform_indices = #map}, {transform_indices = #map1}, {transform_indices = #map1}, {transform_indices = #map1}]} {
    %mul3A = arith.constant 2 : i32
    %mul3A_0 = arith.muli %arg1, %mul3A : i32
    %add3A = arith.addi %mul3A_0, %arg0 : i32
    %mul3A_1 = arith.constant 10000 : i32
    %mul3A_2 = arith.muli %add3A, %mul3A_1 : i32
    "tpu.region"() ({
      %run_scoped3A = tpu.sem_alloc : memref<!tpu.dma_semaphore, #tpu.memory_space<semaphore_mem>>
      %dma_start3A = tpu.memref_slice %arg2[%mul3A_2] : memref<320000xi32, #tpu.memory_space<hbm>> -> memref<10000xi32, #tpu.memory_space<hbm>>
      %dma_start3A_32 = tpu.memref_slice %arg2[%mul3A_2] : memref<320000xi32, #tpu.memory_space<hbm>> -> memref<10000xi32, #tpu.memory_space<hbm>>
      tpu.enqueue_dma source(%dma_start3A_32 : memref<10000xi32, #tpu.memory_space<hbm>>) target(%arg10 : memref<10000xi32, #tpu.memory_space<vmem>>) target_semaphore(%run_scoped3A : memref<!tpu.dma_semaphore, #tpu.memory_space<semaphore_mem>>)
      %dma_wait3A = tpu.memref_slice %arg2[%mul3A_2] : memref<320000xi32, #tpu.memory_space<hbm>> -> memref<10000xi32, #tpu.memory_space<hbm>>
      %dma_wait3A_33 = tpu.memref_slice %arg2[%mul3A_2] : memref<320000xi32, #tpu.memory_space<hbm>> -> memref<10000xi32, #tpu.memory_space<hbm>>
      tpu.wait_dma2 semaphore(%run_scoped3A : memref<!tpu.dma_semaphore, #tpu.memory_space<semaphore_mem>>) src(%dma_wait3A_33 : memref<10000xi32, #tpu.memory_space<hbm>>) dst(%arg10 : memref<10000xi32, #tpu.memory_space<vmem>>)
      tpu.yield
    }) : () -> ()
    %mul3A_3 = arith.constant 10000 : i32
    %mul3A_4 = arith.muli %add3A, %mul3A_3 : i32
    "tpu.region"() ({
      %run_scoped3A = tpu.sem_alloc : memref<!tpu.dma_semaphore, #tpu.memory_space<semaphore_mem>>
      %dma_start3A = tpu.memref_slice %arg3[%mul3A_4] : memref<320000xi32, #tpu.memory_space<hbm>> -> memref<10000xi32, #tpu.memory_space<hbm>>
      %dma_start3A_32 = tpu.memref_slice %arg3[%mul3A_4] : memref<320000xi32, #tpu.memory_space<hbm>> -> memref<10000xi32, #tpu.memory_space<hbm>>
      tpu.enqueue_dma source(%dma_start3A_32 : memref<10000xi32, #tpu.memory_space<hbm>>) target(%arg11 : memref<10000xi32, #tpu.memory_space<vmem>>) target_semaphore(%run_scoped3A : memref<!tpu.dma_semaphore, #tpu.memory_space<semaphore_mem>>)
      %dma_wait3A = tpu.memref_slice %arg3[%mul3A_4] : memref<320000xi32, #tpu.memory_space<hbm>> -> memref<10000xi32, #tpu.memory_space<hbm>>
      %dma_wait3A_33 = tpu.memref_slice %arg3[%mul3A_4] : memref<320000xi32, #tpu.memory_space<hbm>> -> memref<10000xi32, #tpu.memory_space<hbm>>
      tpu.wait_dma2 semaphore(%run_scoped3A : memref<!tpu.dma_semaphore, #tpu.memory_space<semaphore_mem>>) src(%dma_wait3A_33 : memref<10000xi32, #tpu.memory_space<hbm>>) dst(%arg11 : memref<10000xi32, #tpu.memory_space<vmem>>)
      tpu.yield
    }) : () -> ()
    "tpu.region"() ({
      %run_scoped3A = tpu.sem_alloc : memref<!tpu.dma_semaphore, #tpu.memory_space<semaphore_mem>>
      tpu.enqueue_dma source(%arg4 : memref<10000xf32, #tpu.memory_space<hbm>>) target(%arg12 : memref<10000xf32, #tpu.memory_space<vmem>>) target_semaphore(%run_scoped3A : memref<!tpu.dma_semaphore, #tpu.memory_space<semaphore_mem>>)
      tpu.wait_dma2 semaphore(%run_scoped3A : memref<!tpu.dma_semaphore, #tpu.memory_space<semaphore_mem>>) src(%arg4 : memref<10000xf32, #tpu.memory_space<hbm>>) dst(%arg12 : memref<10000xf32, #tpu.memory_space<vmem>>)
      tpu.yield
    }) : () -> ()
    "tpu.region"() ({
      %run_scoped3A = tpu.sem_alloc : memref<!tpu.dma_semaphore, #tpu.memory_space<semaphore_mem>>
      tpu.enqueue_dma source(%arg5 : memref<10000xf32, #tpu.memory_space<hbm>>) target(%arg13 : memref<10000xf32, #tpu.memory_space<vmem>>) target_semaphore(%run_scoped3A : memref<!tpu.dma_semaphore, #tpu.memory_space<semaphore_mem>>)
      tpu.wait_dma2 semaphore(%run_scoped3A : memref<!tpu.dma_semaphore, #tpu.memory_space<semaphore_mem>>) src(%arg5 : memref<10000xf32, #tpu.memory_space<hbm>>) dst(%arg13 : memref<10000xf32, #tpu.memory_space<vmem>>)
      tpu.yield
    }) : () -> ()
    "tpu.region"() ({
      %run_scoped3A = tpu.sem_alloc : memref<!tpu.dma_semaphore, #tpu.memory_space<semaphore_mem>>
      tpu.enqueue_dma source(%arg6 : memref<10000xf32, #tpu.memory_space<hbm>>) target(%arg14 : memref<10000xf32, #tpu.memory_space<vmem>>) target_semaphore(%run_scoped3A : memref<!tpu.dma_semaphore, #tpu.memory_space<semaphore_mem>>)
      tpu.wait_dma2 semaphore(%run_scoped3A : memref<!tpu.dma_semaphore, #tpu.memory_space<semaphore_mem>>) src(%arg6 : memref<10000xf32, #tpu.memory_space<hbm>>) dst(%arg14 : memref<10000xf32, #tpu.memory_space<vmem>>)
      tpu.yield
    }) : () -> ()
    %scan3A = arith.constant 0 : i32
    %scan3A_5 = arith.constant 0 : i32
    %scan3A_6 = arith.constant 625 : i32
    %scan3A_7 = arith.addi %scan3A_5, %scan3A_6 : i32
    %scan3A_8 = arith.constant 1 : i32
    %scan3A_9 = scf.for %scan3A_32 = %scan3A_5 to %scan3A_7 step %scan3A_8 iter_args(%scan3A_33 = %scan3A) -> (i32)  : i32 {
      %broadcast_in_dim3A = arith.constant 0.000000e+00 : f32
      %broadcast_in_dim3A_34 = vector.broadcast %broadcast_in_dim3A : f32 to vector<16xf32>
      %mul3A_35 = arith.constant 16 : i32
      %mul3A_36 = arith.muli %scan3A_32, %mul3A_35 : i32
      %swap3A = arith.index_cast %mul3A_36 : i32 to index
      %swap3A_37 = tpu.vector_load %arg15[%swap3A] {strides = array<i32>} : memref<10000xf32, #tpu.memory_space<vmem>>, vector<16xf32>,
      tpu.vector_store %arg15[%swap3A], %broadcast_in_dim3A_34 {strides = array<i32>} : memref<10000xf32, #tpu.memory_space<vmem>>, vector<16xf32>,
      %scan3A_38 = arith.constant 0 : i32
      scf.yield %scan3A_38 : i32
    }
    %scan3A_10 = arith.constant 625 : i32
    %scan3A_11 = arith.constant 0 : i32
    %scan3A_12 = arith.constant 0 : i32
    %scan3A_13 = arith.constant 625 : i32
    %scan3A_14 = arith.addi %scan3A_12, %scan3A_13 : i32
    %scan3A_15 = arith.constant 1 : i32
    %scan3A_16 = scf.for %scan3A_32 = %scan3A_12 to %scan3A_14 step %scan3A_15 iter_args(%scan3A_33 = %scan3A_11) -> (i32)  : i32 {
      %broadcast_in_dim3A = arith.constant 0.000000e+00 : f32
      %broadcast_in_dim3A_34 = vector.broadcast %broadcast_in_dim3A : f32 to vector<16xf32>
      %mul3A_35 = arith.constant 16 : i32
      %mul3A_36 = arith.muli %scan3A_32, %mul3A_35 : i32
      %swap3A = arith.index_cast %mul3A_36 : i32 to index
      %swap3A_37 = tpu.vector_load %arg16[%swap3A] {strides = array<i32>} : memref<10000xf32, #tpu.memory_space<vmem>>, vector<16xf32>,
      tpu.vector_store %arg16[%swap3A], %broadcast_in_dim3A_34 {strides = array<i32>} : memref<10000xf32, #tpu.memory_space<vmem>>, vector<16xf32>,
      %scan3A_38 = arith.constant 0 : i32
      scf.yield %scan3A_38 : i32
    }
    %scan3A_17 = arith.constant 625 : i32
    %scan3A_18 = arith.constant 0 : i32
    %scan3A_19 = arith.constant 0 : i32
    %scan3A_20 = arith.constant 625 : i32
    %scan3A_21 = arith.addi %scan3A_19, %scan3A_20 : i32
    %scan3A_22 = arith.constant 1 : i32
    %scan3A_23 = scf.for %scan3A_32 = %scan3A_19 to %scan3A_21 step %scan3A_22 iter_args(%scan3A_33 = %scan3A_18) -> (i32)  : i32 {
      %broadcast_in_dim3A = arith.constant 0.000000e+00 : f32
      %broadcast_in_dim3A_34 = vector.broadcast %broadcast_in_dim3A : f32 to vector<16xf32>
      %mul3A_35 = arith.constant 16 : i32
      %mul3A_36 = arith.muli %scan3A_32, %mul3A_35 : i32
      %swap3A = arith.index_cast %mul3A_36 : i32 to index
      %swap3A_37 = tpu.vector_load %arg17[%swap3A] {strides = array<i32>} : memref<10000xf32, #tpu.memory_space<vmem>>, vector<16xf32>,
      tpu.vector_store %arg17[%swap3A], %broadcast_in_dim3A_34 {strides = array<i32>} : memref<10000xf32, #tpu.memory_space<vmem>>, vector<16xf32>,
      %scan3A_38 = arith.constant 0 : i32
      scf.yield %scan3A_38 : i32
    }
    %scan3A_24 = arith.constant 625 : i32
    %scan3A_25 = arith.constant 0 : i32
    %scan3A_26 = arith.constant 0 : i32
    %scan3A_27 = arith.constant 625 : i32
    %scan3A_28 = arith.addi %scan3A_26, %scan3A_27 : i32
    %scan3A_29 = arith.constant 1 : i32
    %scan3A_30 = scf.for %scan3A_32 = %scan3A_26 to %scan3A_28 step %scan3A_29 iter_args(%scan3A_33 = %scan3A_25) -> (i32)  : i32 {
      %mul3A_34 = arith.constant 16 : i32
      %mul3A_35 = arith.muli %scan3A_32, %mul3A_34 : i32
      %get3A = arith.index_cast %mul3A_35 : i32 to index
      %get3A_36 = tpu.vector_load %arg10[%get3A] {strides = array<i32>} : memref<10000xi32, #tpu.memory_space<vmem>>, vector<16xi32>,
      %mul3A_37 = arith.constant 16 : i32
      %mul3A_38 = arith.muli %scan3A_32, %mul3A_37 : i32
      %get3A_39 = arith.index_cast %mul3A_38 : i32 to index
      %get3A_40 = tpu.vector_load %arg11[%get3A_39] {strides = array<i32>} : memref<10000xi32, #tpu.memory_space<vmem>>, vector<16xi32>,
      %gather3A = tpu.vector_load_idx %arg14[%get3A_36] : memref<10000xf32, #tpu.memory_space<vmem>>[vector<16xi32>], vector<16xf32>,
      %gather3A_41 = tpu.vector_load_idx %arg12[%get3A_36] : memref<10000xf32, #tpu.memory_space<vmem>>[vector<16xi32>], vector<16xf32>,
      %mul3A_42 = arith.mulf %gather3A_41, %gather3A : vector<16xf32>
      tpu.vector_store_idx %arg15[%get3A_40], %mul3A_42 {add = true} : memref<10000xf32, #tpu.memory_space<vmem>>[vector<16xi32>], vector<16xf32>,
      %gather3A_43 = tpu.vector_load_idx %arg13[%get3A_36] : memref<10000xf32, #tpu.memory_space<vmem>>[vector<16xi32>], vector<16xf32>,
      %mul3A_44 = arith.mulf %gather3A_43, %gather3A : vector<16xf32>
      tpu.vector_store_idx %arg16[%get3A_40], %mul3A_44 {add = true} : memref<10000xf32, #tpu.memory_space<vmem>>[vector<16xi32>], vector<16xf32>,
      tpu.vector_store_idx %arg17[%get3A_40], %gather3A {add = true} : memref<10000xf32, #tpu.memory_space<vmem>>[vector<16xi32>], vector<16xf32>,
      %scan3A_45 = arith.constant 0 : i32
      scf.yield %scan3A_45 : i32
    }
    %scan3A_31 = arith.constant 625 : i32
    "tpu.region"() ({
      %run_scoped3A = tpu.sem_alloc : memref<!tpu.dma_semaphore, #tpu.memory_space<semaphore_mem>>
      %dma_start3A = arith.constant 0 : i32
      %dma_start3A_32 = tpu.memref_slice %arg7[%add3A, %dma_start3A] : memref<32x10000xf32, #tpu.memory_space<hbm>> -> memref<1x10000xf32, #tpu.memory_space<hbm>>
      %dma_start3A_33 = tpu.memref_squeeze %dma_start3A_32 : memref<1x10000xf32, #tpu.memory_space<hbm>> -> memref<10000xf32, #tpu.memory_space<hbm>>
      %dma_start3A_34 = arith.constant 0 : i32
      %dma_start3A_35 = tpu.memref_slice %arg7[%add3A, %dma_start3A_34] : memref<32x10000xf32, #tpu.memory_space<hbm>> -> memref<1x10000xf32, #tpu.memory_space<hbm>>
      %dma_start3A_36 = tpu.memref_squeeze %dma_start3A_35 : memref<1x10000xf32, #tpu.memory_space<hbm>> -> memref<10000xf32, #tpu.memory_space<hbm>>
      tpu.enqueue_dma source(%arg15 : memref<10000xf32, #tpu.memory_space<vmem>>) target(%dma_start3A_36 : memref<10000xf32, #tpu.memory_space<hbm>>) target_semaphore(%run_scoped3A : memref<!tpu.dma_semaphore, #tpu.memory_space<semaphore_mem>>)
      %dma_wait3A = arith.constant 0 : i32
      %dma_wait3A_37 = tpu.memref_slice %arg7[%add3A, %dma_wait3A] : memref<32x10000xf32, #tpu.memory_space<hbm>> -> memref<1x10000xf32, #tpu.memory_space<hbm>>
      %dma_wait3A_38 = tpu.memref_squeeze %dma_wait3A_37 : memref<1x10000xf32, #tpu.memory_space<hbm>> -> memref<10000xf32, #tpu.memory_space<hbm>>
      %dma_wait3A_39 = arith.constant 0 : i32
      %dma_wait3A_40 = tpu.memref_slice %arg7[%add3A, %dma_wait3A_39] : memref<32x10000xf32, #tpu.memory_space<hbm>> -> memref<1x10000xf32, #tpu.memory_space<hbm>>
      %dma_wait3A_41 = tpu.memref_squeeze %dma_wait3A_40 : memref<1x10000xf32, #tpu.memory_space<hbm>> -> memref<10000xf32, #tpu.memory_space<hbm>>
      tpu.wait_dma2 semaphore(%run_scoped3A : memref<!tpu.dma_semaphore, #tpu.memory_space<semaphore_mem>>) src(%arg15 : memref<10000xf32, #tpu.memory_space<vmem>>) dst(%dma_wait3A_41 : memref<10000xf32, #tpu.memory_space<hbm>>)
      tpu.yield
    }) : () -> ()
    "tpu.region"() ({
      %run_scoped3A = tpu.sem_alloc : memref<!tpu.dma_semaphore, #tpu.memory_space<semaphore_mem>>
      %dma_start3A = arith.constant 0 : i32
      %dma_start3A_32 = tpu.memref_slice %arg8[%add3A, %dma_start3A] : memref<32x10000xf32, #tpu.memory_space<hbm>> -> memref<1x10000xf32, #tpu.memory_space<hbm>>
      %dma_start3A_33 = tpu.memref_squeeze %dma_start3A_32 : memref<1x10000xf32, #tpu.memory_space<hbm>> -> memref<10000xf32, #tpu.memory_space<hbm>>
      %dma_start3A_34 = arith.constant 0 : i32
      %dma_start3A_35 = tpu.memref_slice %arg8[%add3A, %dma_start3A_34] : memref<32x10000xf32, #tpu.memory_space<hbm>> -> memref<1x10000xf32, #tpu.memory_space<hbm>>
      %dma_start3A_36 = tpu.memref_squeeze %dma_start3A_35 : memref<1x10000xf32, #tpu.memory_space<hbm>> -> memref<10000xf32, #tpu.memory_space<hbm>>
      tpu.enqueue_dma source(%arg16 : memref<10000xf32, #tpu.memory_space<vmem>>) target(%dma_start3A_36 : memref<10000xf32, #tpu.memory_space<hbm>>) target_semaphore(%run_scoped3A : memref<!tpu.dma_semaphore, #tpu.memory_space<semaphore_mem>>)
      %dma_wait3A = arith.constant 0 : i32
      %dma_wait3A_37 = tpu.memref_slice %arg8[%add3A, %dma_wait3A] : memref<32x10000xf32, #tpu.memory_space<hbm>> -> memref<1x10000xf32, #tpu.memory_space<hbm>>
      %dma_wait3A_38 = tpu.memref_squeeze %dma_wait3A_37 : memref<1x10000xf32, #tpu.memory_space<hbm>> -> memref<10000xf32, #tpu.memory_space<hbm>>
      %dma_wait3A_39 = arith.constant 0 : i32
      %dma_wait3A_40 = tpu.memref_slice %arg8[%add3A, %dma_wait3A_39] : memref<32x10000xf32, #tpu.memory_space<hbm>> -> memref<1x10000xf32, #tpu.memory_space<hbm>>
      %dma_wait3A_41 = tpu.memref_squeeze %dma_wait3A_40 : memref<1x10000xf32, #tpu.memory_space<hbm>> -> memref<10000xf32, #tpu.memory_space<hbm>>
      tpu.wait_dma2 semaphore(%run_scoped3A : memref<!tpu.dma_semaphore, #tpu.memory_space<semaphore_mem>>) src(%arg16 : memref<10000xf32, #tpu.memory_space<vmem>>) dst(%dma_wait3A_41 : memref<10000xf32, #tpu.memory_space<hbm>>)
      tpu.yield
    }) : () -> ()
    "tpu.region"() ({
      %run_scoped3A = tpu.sem_alloc : memref<!tpu.dma_semaphore, #tpu.memory_space<semaphore_mem>>
      %dma_start3A = arith.constant 0 : i32
      %dma_start3A_32 = tpu.memref_slice %arg9[%add3A, %dma_start3A] : memref<32x10000xf32, #tpu.memory_space<hbm>> -> memref<1x10000xf32, #tpu.memory_space<hbm>>
      %dma_start3A_33 = tpu.memref_squeeze %dma_start3A_32 : memref<1x10000xf32, #tpu.memory_space<hbm>> -> memref<10000xf32, #tpu.memory_space<hbm>>
      %dma_start3A_34 = arith.constant 0 : i32
      %dma_start3A_35 = tpu.memref_slice %arg9[%add3A, %dma_start3A_34] : memref<32x10000xf32, #tpu.memory_space<hbm>> -> memref<1x10000xf32, #tpu.memory_space<hbm>>
      %dma_start3A_36 = tpu.memref_squeeze %dma_start3A_35 : memref<1x10000xf32, #tpu.memory_space<hbm>> -> memref<10000xf32, #tpu.memory_space<hbm>>
      tpu.enqueue_dma source(%arg17 : memref<10000xf32, #tpu.memory_space<vmem>>) target(%dma_start3A_36 : memref<10000xf32, #tpu.memory_space<hbm>>) target_semaphore(%run_scoped3A : memref<!tpu.dma_semaphore, #tpu.memory_space<semaphore_mem>>)
      %dma_wait3A = arith.constant 0 : i32
      %dma_wait3A_37 = tpu.memref_slice %arg9[%add3A, %dma_wait3A] : memref<32x10000xf32, #tpu.memory_space<hbm>> -> memref<1x10000xf32, #tpu.memory_space<hbm>>
      %dma_wait3A_38 = tpu.memref_squeeze %dma_wait3A_37 : memref<1x10000xf32, #tpu.memory_space<hbm>> -> memref<10000xf32, #tpu.memory_space<hbm>>
      %dma_wait3A_39 = arith.constant 0 : i32
      %dma_wait3A_40 = tpu.memref_slice %arg9[%add3A, %dma_wait3A_39] : memref<32x10000xf32, #tpu.memory_space<hbm>> -> memref<1x10000xf32, #tpu.memory_space<hbm>>
      %dma_wait3A_41 = tpu.memref_squeeze %dma_wait3A_40 : memref<1x10000xf32, #tpu.memory_space<hbm>> -> memref<10000xf32, #tpu.memory_space<hbm>>
      tpu.wait_dma2 semaphore(%run_scoped3A : memref<!tpu.dma_semaphore, #tpu.memory_space<semaphore_mem>>) src(%arg17 : memref<10000xf32, #tpu.memory_space<vmem>>) dst(%dma_wait3A_41 : memref<10000xf32, #tpu.memory_space<hbm>>)
      tpu.yield
    }) : () -> ()
    return
  }
}

module attributes {stable_mosaic.version = 14 : i64} {
  func.func @_proj0_body(%arg0: i32, %arg1: memref<1000x128xf32, #tpu.memory_space<vmem>>, %arg2: memref<128x512xf32, #tpu.memory_space<vmem>>, %arg3: memref<128x512xf32, #tpu.memory_space<vmem>>, %arg4: memref<1x512xf32, #tpu.memory_space<vmem>>, %arg5: memref<1x512xf32, #tpu.memory_space<vmem>>, %arg6: memref<1000x512xf32, #tpu.memory_space<vmem>>, %arg7: memref<1000x512xf32, #tpu.memory_space<vmem>>) attributes {dimension_semantics = [#tpu.dimension_semantics<arbitrary>], iteration_bounds = array<i64: 10>, scalar_prefetch = 0 : i64, scratch_operands = 0 : i64, tpu.core_type = #tpu.core_type<tc>, window_params = [{transform_indices = @transform_0, window_bounds = array<i64: 1000, 128>}, {pipeline_mode = #tpu.pipeline_mode<synchronous>, transform_indices = @transform_1, window_bounds = array<i64: 128, 512>}, {pipeline_mode = #tpu.pipeline_mode<synchronous>, transform_indices = @transform_2, window_bounds = array<i64: 128, 512>}, {pipeline_mode = #tpu.pipeline_mode<synchronous>, transform_indices = @transform_3, window_bounds = array<i64: 1, 512>}, {pipeline_mode = #tpu.pipeline_mode<synchronous>, transform_indices = @transform_4, window_bounds = array<i64: 1, 512>}, {transform_indices = @transform_5, window_bounds = array<i64: 1000, 512>}, {transform_indices = @transform_6, window_bounds = array<i64: 1000, 512>}]} {
    %get3A = arith.constant 0 : index
    %get3A_0 = arith.constant 0 : index
    %get3A_1 = vector.load %arg1[%get3A, %get3A_0] : memref<1000x128xf32, #tpu.memory_space<vmem>>, vector<1000x128xf32>
    %get3A_2 = arith.constant 0 : index
    %get3A_3 = arith.constant 0 : index
    %get3A_4 = vector.load %arg2[%get3A_2, %get3A_3] : memref<128x512xf32, #tpu.memory_space<vmem>>, vector<128x512xf32>
    %dot_general3A = arith.constant dense<0.000000e+00> : vector<1000x512xf32>
    %dot_general3A_5 = tpu.matmul %get3A_1, %get3A_4, %dot_general3A {dimension_numbers = #tpu.dot_dimension_numbers<[1], [0], [0], [1], [0, 0, 1, 1], [], []>, transpose_lhs_hint = false} : vector<1000x128xf32>, vector<128x512xf32>, vector<1000x512xf32> -> vector<1000x512xf32>
    %get3A_6 = arith.constant 0 : index
    %get3A_7 = arith.constant 0 : index
    %get3A_8 = vector.load %arg4[%get3A_6, %get3A_7] : memref<1x512xf32, #tpu.memory_space<vmem>>, vector<1x512xf32>
    %add3A = vector.broadcast %get3A_8 : vector<1x512xf32> to vector<1000x512xf32>
    %add3A_9 = arith.addf %dot_general3A_5, %add3A : vector<1000x512xf32>
    %swap3A = arith.constant 0 : index
    %swap3A_10 = arith.constant 0 : index
    %swap3A_11 = vector.load %arg6[%swap3A, %swap3A_10] : memref<1000x512xf32, #tpu.memory_space<vmem>>, vector<1000x512xf32>
    tpu.vector_store %arg6[%swap3A, %swap3A_10], %add3A_9 {strides = array<i32>} : memref<1000x512xf32, #tpu.memory_space<vmem>>, vector<1000x512xf32>,
    %get3A_12 = arith.constant 0 : index
    %get3A_13 = arith.constant 0 : index
    %get3A_14 = vector.load %arg3[%get3A_12, %get3A_13] : memref<128x512xf32, #tpu.memory_space<vmem>>, vector<128x512xf32>
    %dot_general3A_15 = arith.constant dense<0.000000e+00> : vector<1000x512xf32>
    %dot_general3A_16 = tpu.matmul %get3A_1, %get3A_14, %dot_general3A_15 {dimension_numbers = #tpu.dot_dimension_numbers<[1], [0], [0], [1], [0, 0, 1, 1], [], []>, transpose_lhs_hint = false} : vector<1000x128xf32>, vector<128x512xf32>, vector<1000x512xf32> -> vector<1000x512xf32>
    %get3A_17 = arith.constant 0 : index
    %get3A_18 = arith.constant 0 : index
    %get3A_19 = vector.load %arg5[%get3A_17, %get3A_18] : memref<1x512xf32, #tpu.memory_space<vmem>>, vector<1x512xf32>
    %add3A_20 = vector.broadcast %get3A_19 : vector<1x512xf32> to vector<1000x512xf32>
    %add3A_21 = arith.addf %dot_general3A_16, %add3A_20 : vector<1000x512xf32>
    %swap3A_22 = arith.constant 0 : index
    %swap3A_23 = arith.constant 0 : index
    %swap3A_24 = vector.load %arg7[%swap3A_22, %swap3A_23] : memref<1000x512xf32, #tpu.memory_space<vmem>>, vector<1000x512xf32>
    tpu.vector_store %arg7[%swap3A_22, %swap3A_23], %add3A_21 {strides = array<i32>} : memref<1000x512xf32, #tpu.memory_space<vmem>>, vector<1000x512xf32>,
    return
  }
  func.func @transform_0(%arg0: i32) -> (i32, i32) {
    %c0_i32 = arith.constant 0 : i32
    %c0_i32_0 = arith.constant 0 : i32
    return %arg0, %c0_i32 : i32, i32
  }
  func.func @transform_1(%arg0: i32) -> (i32, i32) {
    %c0_i32 = arith.constant 0 : i32
    %c0_i32_0 = arith.constant 0 : i32
    %c0_i32_1 = arith.constant 0 : i32
    return %c0_i32, %c0_i32_0 : i32, i32
  }
  func.func @transform_2(%arg0: i32) -> (i32, i32) {
    %c0_i32 = arith.constant 0 : i32
    %c0_i32_0 = arith.constant 0 : i32
    %c0_i32_1 = arith.constant 0 : i32
    return %c0_i32, %c0_i32_0 : i32, i32
  }
  func.func @transform_3(%arg0: i32) -> (i32, i32) {
    %c0_i32 = arith.constant 0 : i32
    %c0_i32_0 = arith.constant 0 : i32
    %c0_i32_1 = arith.constant 0 : i32
    return %c0_i32, %c0_i32_0 : i32, i32
  }
  func.func @transform_4(%arg0: i32) -> (i32, i32) {
    %c0_i32 = arith.constant 0 : i32
    %c0_i32_0 = arith.constant 0 : i32
    %c0_i32_1 = arith.constant 0 : i32
    return %c0_i32, %c0_i32_0 : i32, i32
  }
  func.func @transform_5(%arg0: i32) -> (i32, i32) {
    %c0_i32 = arith.constant 0 : i32
    %c0_i32_0 = arith.constant 0 : i32
    return %arg0, %c0_i32 : i32, i32
  }
  func.func @transform_6(%arg0: i32) -> (i32, i32) {
    %c0_i32 = arith.constant 0 : i32
    %c0_i32_0 = arith.constant 0 : i32
    return %arg0, %c0_i32 : i32, i32
  }
}

module attributes {stable_mosaic.version = 14 : i64} {
  func.func @_scan_body(%arg0: i32, %arg1: memref<1000x512xf32, #tpu.memory_space<vmem>>, %arg2: memref<1000x512xf32, #tpu.memory_space<vmem>>, %arg3: memref<128x512xf32, #tpu.memory_space<vmem>>, %arg4: memref<128x512xf32, #tpu.memory_space<vmem>>, %arg5: memref<1000x128xf32, #tpu.memory_space<vmem>>, %arg6: memref<1000x128xf32, #tpu.memory_space<vmem>>, %arg7: memref<1x128xf32, #tpu.memory_space<vmem>>, %arg8: memref<1x128xf32, #tpu.memory_space<vmem>>, %arg9: memref<1x128xf32, #tpu.memory_space<vmem>>, %arg10: memref<1x128xf32, #tpu.memory_space<vmem>>) attributes {dimension_semantics = [#tpu.dimension_semantics<arbitrary>], iteration_bounds = array<i64: 10>, scalar_prefetch = 0 : i64, scratch_operands = 4 : i64, tpu.core_type = #tpu.core_type<tc>, window_params = [{transform_indices = @transform_0, window_bounds = array<i64: 1000, 512>}, {transform_indices = @transform_1, window_bounds = array<i64: 1000, 512>}, {pipeline_mode = #tpu.pipeline_mode<synchronous>, transform_indices = @transform_2, window_bounds = array<i64: 128, 512>}, {pipeline_mode = #tpu.pipeline_mode<synchronous>, transform_indices = @transform_3, window_bounds = array<i64: 128, 512>}, {transform_indices = @transform_4, window_bounds = array<i64: 1000, 128>}, {transform_indices = @transform_5, window_bounds = array<i64: 1000, 128>}]} {
    %eq3A = arith.constant 0 : i32
    %eq3A_0 = arith.cmpi eq, %arg0, %eq3A : i32
    %convert_element_type3A = arith.extui %eq3A_0 : i1 to i32
    %cond3A = arith.constant 0 : i32
    %cond3A_1 = arith.cmpi ne, %convert_element_type3A, %cond3A : i32
    scf.if %cond3A_1 {
      %broadcast_in_dim3A = arith.constant 0.000000e+00 : f32
      %broadcast_in_dim3A_35 = vector.broadcast %broadcast_in_dim3A : f32 to vector<1x128xf32>
      %swap3A_36 = arith.constant 0 : index
      %swap3A_37 = arith.constant 0 : index
      %swap3A_38 = vector.load %arg7[%swap3A_36, %swap3A_37] : memref<1x128xf32, #tpu.memory_space<vmem>>, vector<1x128xf32>
      tpu.vector_store %arg7[%swap3A_36, %swap3A_37], %broadcast_in_dim3A_35 {strides = array<i32>} : memref<1x128xf32, #tpu.memory_space<vmem>>, vector<1x128xf32>,
      %broadcast_in_dim3A_39 = arith.constant 0.000000e+00 : f32
      %broadcast_in_dim3A_40 = vector.broadcast %broadcast_in_dim3A_39 : f32 to vector<1x128xf32>
      %swap3A_41 = arith.constant 0 : index
      %swap3A_42 = arith.constant 0 : index
      %swap3A_43 = vector.load %arg8[%swap3A_41, %swap3A_42] : memref<1x128xf32, #tpu.memory_space<vmem>>, vector<1x128xf32>
      tpu.vector_store %arg8[%swap3A_41, %swap3A_42], %broadcast_in_dim3A_40 {strides = array<i32>} : memref<1x128xf32, #tpu.memory_space<vmem>>, vector<1x128xf32>,
      %broadcast_in_dim3A_44 = arith.constant 0.000000e+00 : f32
      %broadcast_in_dim3A_45 = vector.broadcast %broadcast_in_dim3A_44 : f32 to vector<1x128xf32>
      %swap3A_46 = arith.constant 0 : index
      %swap3A_47 = arith.constant 0 : index
      %swap3A_48 = vector.load %arg9[%swap3A_46, %swap3A_47] : memref<1x128xf32, #tpu.memory_space<vmem>>, vector<1x128xf32>
      tpu.vector_store %arg9[%swap3A_46, %swap3A_47], %broadcast_in_dim3A_45 {strides = array<i32>} : memref<1x128xf32, #tpu.memory_space<vmem>>, vector<1x128xf32>,
      %broadcast_in_dim3A_49 = arith.constant 0.000000e+00 : f32
      %broadcast_in_dim3A_50 = vector.broadcast %broadcast_in_dim3A_49 : f32 to vector<1x128xf32>
      %swap3A_51 = arith.constant 0 : index
      %swap3A_52 = arith.constant 0 : index
      %swap3A_53 = vector.load %arg10[%swap3A_51, %swap3A_52] : memref<1x128xf32, #tpu.memory_space<vmem>>, vector<1x128xf32>
      tpu.vector_store %arg10[%swap3A_51, %swap3A_52], %broadcast_in_dim3A_50 {strides = array<i32>} : memref<1x128xf32, #tpu.memory_space<vmem>>, vector<1x128xf32>,
    } else {
    }
    %get3A = arith.constant 0 : index
    %get3A_2 = arith.constant 0 : index
    %get3A_3 = vector.load %arg3[%get3A, %get3A_2] : memref<128x512xf32, #tpu.memory_space<vmem>>, vector<128x512xf32>
    %get3A_4 = arith.constant 0 : index
    %get3A_5 = arith.constant 0 : index
    %get3A_6 = vector.load %arg4[%get3A_4, %get3A_5] : memref<128x512xf32, #tpu.memory_space<vmem>>, vector<128x512xf32>
    %get3A_7 = arith.constant 0 : index
    %get3A_8 = arith.constant 0 : index
    %get3A_9 = vector.load %arg7[%get3A_7, %get3A_8] : memref<1x128xf32, #tpu.memory_space<vmem>>, vector<1x128xf32>
    %get3A_10 = arith.constant 0 : index
    %get3A_11 = arith.constant 0 : index
    %get3A_12 = vector.load %arg8[%get3A_10, %get3A_11] : memref<1x128xf32, #tpu.memory_space<vmem>>, vector<1x128xf32>
    %get3A_13 = arith.constant 0 : index
    %get3A_14 = arith.constant 0 : index
    %get3A_15 = vector.load %arg9[%get3A_13, %get3A_14] : memref<1x128xf32, #tpu.memory_space<vmem>>, vector<1x128xf32>
    %get3A_16 = arith.constant 0 : index
    %get3A_17 = arith.constant 0 : index
    %get3A_18 = vector.load %arg10[%get3A_16, %get3A_17] : memref<1x128xf32, #tpu.memory_space<vmem>>, vector<1x128xf32>
    %scan3A = arith.constant 0 : i32
    %scan3A_19 = arith.constant 1000 : i32
    %scan3A_20 = arith.addi %scan3A, %scan3A_19 : i32
    %scan3A_21 = arith.constant 4 : i32
    %scan3A_22:4 = scf.for %scan3A_35 = %scan3A to %scan3A_20 step %scan3A_21 iter_args(%scan3A_36 = %get3A_9, %scan3A_37 = %get3A_12, %scan3A_38 = %get3A_15, %scan3A_39 = %get3A_18) -> (vector<1x128xf32>, vector<1x128xf32>, vector<1x128xf32>, vector<1x128xf32>)  : i32 {
      %get3A_40 = arith.index_cast %scan3A_35 : i32 to index
      %get3A_41 = arith.constant 0 : index
      %get3A_42 = vector.load %arg1[%get3A_40, %get3A_41] : memref<1000x512xf32, #tpu.memory_space<vmem>>, vector<1x512xf32>
      %dot_general3A = arith.constant dense<0.000000e+00> : vector<1x512xf32>
      %dot_general3A_43 = tpu.matmul %scan3A_36, %get3A_3, %dot_general3A {dimension_numbers = #tpu.dot_dimension_numbers<[1], [0], [0], [1], [0, 0, 1, 1], [], []>, transpose_lhs_hint = false} : vector<1x128xf32>, vector<128x512xf32>, vector<1x512xf32> -> vector<1x512xf32>
      %add3A = arith.addf %get3A_42, %dot_general3A_43 : vector<1x512xf32>
      %slice3A = vector.extract_strided_slice %add3A {offsets = [0, 0], sizes = [1, 128], strides = [1, 1]} : vector<1x512xf32> to vector<1x128xf32>
      %mul3A = arith.constant 5.000000e-01 : f32
      %mul3A_44 = vector.broadcast %mul3A : f32 to vector<1x128xf32>
      %mul3A_45 = arith.mulf %mul3A_44, %slice3A : vector<1x128xf32>
      %tanh3A = math.tanh %mul3A_45 : vector<1x128xf32>
      %mul3A_46 = arith.constant 5.000000e-01 : f32
      %mul3A_47 = vector.broadcast %mul3A_46 : f32 to vector<1x128xf32>
      %mul3A_48 = arith.mulf %mul3A_47, %tanh3A : vector<1x128xf32>
      %add3A_49 = arith.constant 5.000000e-01 : f32
      %add3A_50 = vector.broadcast %add3A_49 : f32 to vector<1x128xf32>
      %add3A_51 = arith.addf %mul3A_48, %add3A_50 : vector<1x128xf32>
      %slice3A_52 = vector.extract_strided_slice %add3A {offsets = [0, 128], sizes = [1, 128], strides = [1, 1]} : vector<1x512xf32> to vector<1x128xf32>
      %mul3A_53 = arith.constant 5.000000e-01 : f32
      %mul3A_54 = vector.broadcast %mul3A_53 : f32 to vector<1x128xf32>
      %mul3A_55 = arith.mulf %mul3A_54, %slice3A_52 : vector<1x128xf32>
      %tanh3A_56 = math.tanh %mul3A_55 : vector<1x128xf32>
      %mul3A_57 = arith.constant 5.000000e-01 : f32
      %mul3A_58 = vector.broadcast %mul3A_57 : f32 to vector<1x128xf32>
      %mul3A_59 = arith.mulf %mul3A_58, %tanh3A_56 : vector<1x128xf32>
      %add3A_60 = arith.constant 5.000000e-01 : f32
      %add3A_61 = vector.broadcast %add3A_60 : f32 to vector<1x128xf32>
      %add3A_62 = arith.addf %mul3A_59, %add3A_61 : vector<1x128xf32>
      %slice3A_63 = vector.extract_strided_slice %add3A {offsets = [0, 256], sizes = [1, 128], strides = [1, 1]} : vector<1x512xf32> to vector<1x128xf32>
      %tanh3A_64 = math.tanh %slice3A_63 : vector<1x128xf32>
      %slice3A_65 = vector.extract_strided_slice %add3A {offsets = [0, 384], sizes = [1, 128], strides = [1, 1]} : vector<1x512xf32> to vector<1x128xf32>
      %mul3A_66 = arith.constant 5.000000e-01 : f32
      %mul3A_67 = vector.broadcast %mul3A_66 : f32 to vector<1x128xf32>
      %mul3A_68 = arith.mulf %mul3A_67, %slice3A_65 : vector<1x128xf32>
      %tanh3A_69 = math.tanh %mul3A_68 : vector<1x128xf32>
      %mul3A_70 = arith.constant 5.000000e-01 : f32
      %mul3A_71 = vector.broadcast %mul3A_70 : f32 to vector<1x128xf32>
      %mul3A_72 = arith.mulf %mul3A_71, %tanh3A_69 : vector<1x128xf32>
      %add3A_73 = arith.constant 5.000000e-01 : f32
      %add3A_74 = vector.broadcast %add3A_73 : f32 to vector<1x128xf32>
      %add3A_75 = arith.addf %mul3A_72, %add3A_74 : vector<1x128xf32>
      %mul3A_76 = arith.mulf %add3A_62, %scan3A_37 : vector<1x128xf32>
      %mul3A_77 = arith.mulf %add3A_51, %tanh3A_64 : vector<1x128xf32>
      %add3A_78 = arith.addf %mul3A_76, %mul3A_77 : vector<1x128xf32>
      %tanh3A_79 = math.tanh %add3A_78 : vector<1x128xf32>
      %mul3A_80 = arith.mulf %add3A_75, %tanh3A_79 : vector<1x128xf32>
      %swap3A_81 = arith.index_cast %scan3A_35 : i32 to index
      %swap3A_82 = arith.constant 0 : index
      %swap3A_83 = vector.load %arg5[%swap3A_81, %swap3A_82] : memref<1000x128xf32, #tpu.memory_space<vmem>>, vector<1x128xf32>
      tpu.vector_store %arg5[%swap3A_81, %swap3A_82], %mul3A_80 {strides = array<i32>} : memref<1000x128xf32, #tpu.memory_space<vmem>>, vector<1x128xf32>,
      %sub3A = arith.constant 999 : i32
      %sub3A_84 = arith.subi %sub3A, %scan3A_35 : i32
      %get3A_85 = arith.index_cast %sub3A_84 : i32 to index
      %get3A_86 = arith.constant 0 : index
      %get3A_87 = vector.load %arg2[%get3A_85, %get3A_86] : memref<1000x512xf32, #tpu.memory_space<vmem>>, vector<1x512xf32>
      %dot_general3A_88 = arith.constant dense<0.000000e+00> : vector<1x512xf32>
      %dot_general3A_89 = tpu.matmul %scan3A_38, %get3A_6, %dot_general3A_88 {dimension_numbers = #tpu.dot_dimension_numbers<[1], [0], [0], [1], [0, 0, 1, 1], [], []>, transpose_lhs_hint = false} : vector<1x128xf32>, vector<128x512xf32>, vector<1x512xf32> -> vector<1x512xf32>
      %add3A_90 = arith.addf %get3A_87, %dot_general3A_89 : vector<1x512xf32>
      %slice3A_91 = vector.extract_strided_slice %add3A_90 {offsets = [0, 0], sizes = [1, 128], strides = [1, 1]} : vector<1x512xf32> to vector<1x128xf32>
      %mul3A_92 = arith.constant 5.000000e-01 : f32
      %mul3A_93 = vector.broadcast %mul3A_92 : f32 to vector<1x128xf32>
      %mul3A_94 = arith.mulf %mul3A_93, %slice3A_91 : vector<1x128xf32>
      %tanh3A_95 = math.tanh %mul3A_94 : vector<1x128xf32>
      %mul3A_96 = arith.constant 5.000000e-01 : f32
      %mul3A_97 = vector.broadcast %mul3A_96 : f32 to vector<1x128xf32>
      %mul3A_98 = arith.mulf %mul3A_97, %tanh3A_95 : vector<1x128xf32>
      %add3A_99 = arith.constant 5.000000e-01 : f32
      %add3A_100 = vector.broadcast %add3A_99 : f32 to vector<1x128xf32>
      %add3A_101 = arith.addf %mul3A_98, %add3A_100 : vector<1x128xf32>
      %slice3A_102 = vector.extract_strided_slice %add3A_90 {offsets = [0, 128], sizes = [1, 128], strides = [1, 1]} : vector<1x512xf32> to vector<1x128xf32>
      %mul3A_103 = arith.constant 5.000000e-01 : f32
      %mul3A_104 = vector.broadcast %mul3A_103 : f32 to vector<1x128xf32>
      %mul3A_105 = arith.mulf %mul3A_104, %slice3A_102 : vector<1x128xf32>
      %tanh3A_106 = math.tanh %mul3A_105 : vector<1x128xf32>
      %mul3A_107 = arith.constant 5.000000e-01 : f32
      %mul3A_108 = vector.broadcast %mul3A_107 : f32 to vector<1x128xf32>
      %mul3A_109 = arith.mulf %mul3A_108, %tanh3A_106 : vector<1x128xf32>
      %add3A_110 = arith.constant 5.000000e-01 : f32
      %add3A_111 = vector.broadcast %add3A_110 : f32 to vector<1x128xf32>
      %add3A_112 = arith.addf %mul3A_109, %add3A_111 : vector<1x128xf32>
      %slice3A_113 = vector.extract_strided_slice %add3A_90 {offsets = [0, 256], sizes = [1, 128], strides = [1, 1]} : vector<1x512xf32> to vector<1x128xf32>
      %tanh3A_114 = math.tanh %slice3A_113 : vector<1x128xf32>
      %slice3A_115 = vector.extract_strided_slice %add3A_90 {offsets = [0, 384], sizes = [1, 128], strides = [1, 1]} : vector<1x512xf32> to vector<1x128xf32>
      %mul3A_116 = arith.constant 5.000000e-01 : f32
      %mul3A_117 = vector.broadcast %mul3A_116 : f32 to vector<1x128xf32>
      %mul3A_118 = arith.mulf %mul3A_117, %slice3A_115 : vector<1x128xf32>
      %tanh3A_119 = math.tanh %mul3A_118 : vector<1x128xf32>
      %mul3A_120 = arith.constant 5.000000e-01 : f32
      %mul3A_121 = vector.broadcast %mul3A_120 : f32 to vector<1x128xf32>
      %mul3A_122 = arith.mulf %mul3A_121, %tanh3A_119 : vector<1x128xf32>
      %add3A_123 = arith.constant 5.000000e-01 : f32
      %add3A_124 = vector.broadcast %add3A_123 : f32 to vector<1x128xf32>
      %add3A_125 = arith.addf %mul3A_122, %add3A_124 : vector<1x128xf32>
      %mul3A_126 = arith.mulf %add3A_112, %scan3A_39 : vector<1x128xf32>
      %mul3A_127 = arith.mulf %add3A_101, %tanh3A_114 : vector<1x128xf32>
      %add3A_128 = arith.addf %mul3A_126, %mul3A_127 : vector<1x128xf32>
      %tanh3A_129 = math.tanh %add3A_128 : vector<1x128xf32>
      %mul3A_130 = arith.mulf %add3A_125, %tanh3A_129 : vector<1x128xf32>
      %swap3A_131 = arith.index_cast %sub3A_84 : i32 to index
      %swap3A_132 = arith.constant 0 : index
      %swap3A_133 = vector.load %arg6[%swap3A_131, %swap3A_132] : memref<1000x128xf32, #tpu.memory_space<vmem>>, vector<1x128xf32>
      tpu.vector_store %arg6[%swap3A_131, %swap3A_132], %mul3A_130 {strides = array<i32>} : memref<1000x128xf32, #tpu.memory_space<vmem>>, vector<1x128xf32>,
      %scan3A_134 = arith.constant 1 : i32
      %scan3A_135 = arith.addi %scan3A_35, %scan3A_134 : i32
      %get3A_136 = arith.index_cast %scan3A_135 : i32 to index
      %get3A_137 = arith.constant 0 : index
      %get3A_138 = vector.load %arg1[%get3A_136, %get3A_137] : memref<1000x512xf32, #tpu.memory_space<vmem>>, vector<1x512xf32>
      %dot_general3A_139 = arith.constant dense<0.000000e+00> : vector<1x512xf32>
      %dot_general3A_140 = tpu.matmul %mul3A_80, %get3A_3, %dot_general3A_139 {dimension_numbers = #tpu.dot_dimension_numbers<[1], [0], [0], [1], [0, 0, 1, 1], [], []>, transpose_lhs_hint = false} : vector<1x128xf32>, vector<128x512xf32>, vector<1x512xf32> -> vector<1x512xf32>
      %add3A_141 = arith.addf %get3A_138, %dot_general3A_140 : vector<1x512xf32>
      %slice3A_142 = vector.extract_strided_slice %add3A_141 {offsets = [0, 0], sizes = [1, 128], strides = [1, 1]} : vector<1x512xf32> to vector<1x128xf32>
      %mul3A_143 = arith.constant 5.000000e-01 : f32
      %mul3A_144 = vector.broadcast %mul3A_143 : f32 to vector<1x128xf32>
      %mul3A_145 = arith.mulf %mul3A_144, %slice3A_142 : vector<1x128xf32>
      %tanh3A_146 = math.tanh %mul3A_145 : vector<1x128xf32>
      %mul3A_147 = arith.constant 5.000000e-01 : f32
      %mul3A_148 = vector.broadcast %mul3A_147 : f32 to vector<1x128xf32>
      %mul3A_149 = arith.mulf %mul3A_148, %tanh3A_146 : vector<1x128xf32>
      %add3A_150 = arith.constant 5.000000e-01 : f32
      %add3A_151 = vector.broadcast %add3A_150 : f32 to vector<1x128xf32>
      %add3A_152 = arith.addf %mul3A_149, %add3A_151 : vector<1x128xf32>
      %slice3A_153 = vector.extract_strided_slice %add3A_141 {offsets = [0, 128], sizes = [1, 128], strides = [1, 1]} : vector<1x512xf32> to vector<1x128xf32>
      %mul3A_154 = arith.constant 5.000000e-01 : f32
      %mul3A_155 = vector.broadcast %mul3A_154 : f32 to vector<1x128xf32>
      %mul3A_156 = arith.mulf %mul3A_155, %slice3A_153 : vector<1x128xf32>
      %tanh3A_157 = math.tanh %mul3A_156 : vector<1x128xf32>
      %mul3A_158 = arith.constant 5.000000e-01 : f32
      %mul3A_159 = vector.broadcast %mul3A_158 : f32 to vector<1x128xf32>
      %mul3A_160 = arith.mulf %mul3A_159, %tanh3A_157 : vector<1x128xf32>
      %add3A_161 = arith.constant 5.000000e-01 : f32
      %add3A_162 = vector.broadcast %add3A_161 : f32 to vector<1x128xf32>
      %add3A_163 = arith.addf %mul3A_160, %add3A_162 : vector<1x128xf32>
      %slice3A_164 = vector.extract_strided_slice %add3A_141 {offsets = [0, 256], sizes = [1, 128], strides = [1, 1]} : vector<1x512xf32> to vector<1x128xf32>
      %tanh3A_165 = math.tanh %slice3A_164 : vector<1x128xf32>
      %slice3A_166 = vector.extract_strided_slice %add3A_141 {offsets = [0, 384], sizes = [1, 128], strides = [1, 1]} : vector<1x512xf32> to vector<1x128xf32>
      %mul3A_167 = arith.constant 5.000000e-01 : f32
      %mul3A_168 = vector.broadcast %mul3A_167 : f32 to vector<1x128xf32>
      %mul3A_169 = arith.mulf %mul3A_168, %slice3A_166 : vector<1x128xf32>
      %tanh3A_170 = math.tanh %mul3A_169 : vector<1x128xf32>
      %mul3A_171 = arith.constant 5.000000e-01 : f32
      %mul3A_172 = vector.broadcast %mul3A_171 : f32 to vector<1x128xf32>
      %mul3A_173 = arith.mulf %mul3A_172, %tanh3A_170 : vector<1x128xf32>
      %add3A_174 = arith.constant 5.000000e-01 : f32
      %add3A_175 = vector.broadcast %add3A_174 : f32 to vector<1x128xf32>
      %add3A_176 = arith.addf %mul3A_173, %add3A_175 : vector<1x128xf32>
      %mul3A_177 = arith.mulf %add3A_163, %add3A_78 : vector<1x128xf32>
      %mul3A_178 = arith.mulf %add3A_152, %tanh3A_165 : vector<1x128xf32>
      %add3A_179 = arith.addf %mul3A_177, %mul3A_178 : vector<1x128xf32>
      %tanh3A_180 = math.tanh %add3A_179 : vector<1x128xf32>
      %mul3A_181 = arith.mulf %add3A_176, %tanh3A_180 : vector<1x128xf32>
      %swap3A_182 = arith.index_cast %scan3A_135 : i32 to index
      %swap3A_183 = arith.constant 0 : index
      %swap3A_184 = vector.load %arg5[%swap3A_182, %swap3A_183] : memref<1000x128xf32, #tpu.memory_space<vmem>>, vector<1x128xf32>
      tpu.vector_store %arg5[%swap3A_182, %swap3A_183], %mul3A_181 {strides = array<i32>} : memref<1000x128xf32, #tpu.memory_space<vmem>>, vector<1x128xf32>,
      %sub3A_185 = arith.constant 999 : i32
      %sub3A_186 = arith.subi %sub3A_185, %scan3A_135 : i32
      %get3A_187 = arith.index_cast %sub3A_186 : i32 to index
      %get3A_188 = arith.constant 0 : index
      %get3A_189 = vector.load %arg2[%get3A_187, %get3A_188] : memref<1000x512xf32, #tpu.memory_space<vmem>>, vector<1x512xf32>
      %dot_general3A_190 = arith.constant dense<0.000000e+00> : vector<1x512xf32>
      %dot_general3A_191 = tpu.matmul %mul3A_130, %get3A_6, %dot_general3A_190 {dimension_numbers = #tpu.dot_dimension_numbers<[1], [0], [0], [1], [0, 0, 1, 1], [], []>, transpose_lhs_hint = false} : vector<1x128xf32>, vector<128x512xf32>, vector<1x512xf32> -> vector<1x512xf32>
      %add3A_192 = arith.addf %get3A_189, %dot_general3A_191 : vector<1x512xf32>
      %slice3A_193 = vector.extract_strided_slice %add3A_192 {offsets = [0, 0], sizes = [1, 128], strides = [1, 1]} : vector<1x512xf32> to vector<1x128xf32>
      %mul3A_194 = arith.constant 5.000000e-01 : f32
      %mul3A_195 = vector.broadcast %mul3A_194 : f32 to vector<1x128xf32>
      %mul3A_196 = arith.mulf %mul3A_195, %slice3A_193 : vector<1x128xf32>
      %tanh3A_197 = math.tanh %mul3A_196 : vector<1x128xf32>
      %mul3A_198 = arith.constant 5.000000e-01 : f32
      %mul3A_199 = vector.broadcast %mul3A_198 : f32 to vector<1x128xf32>
      %mul3A_200 = arith.mulf %mul3A_199, %tanh3A_197 : vector<1x128xf32>
      %add3A_201 = arith.constant 5.000000e-01 : f32
      %add3A_202 = vector.broadcast %add3A_201 : f32 to vector<1x128xf32>
      %add3A_203 = arith.addf %mul3A_200, %add3A_202 : vector<1x128xf32>
      %slice3A_204 = vector.extract_strided_slice %add3A_192 {offsets = [0, 128], sizes = [1, 128], strides = [1, 1]} : vector<1x512xf32> to vector<1x128xf32>
      %mul3A_205 = arith.constant 5.000000e-01 : f32
      %mul3A_206 = vector.broadcast %mul3A_205 : f32 to vector<1x128xf32>
      %mul3A_207 = arith.mulf %mul3A_206, %slice3A_204 : vector<1x128xf32>
      %tanh3A_208 = math.tanh %mul3A_207 : vector<1x128xf32>
      %mul3A_209 = arith.constant 5.000000e-01 : f32
      %mul3A_210 = vector.broadcast %mul3A_209 : f32 to vector<1x128xf32>
      %mul3A_211 = arith.mulf %mul3A_210, %tanh3A_208 : vector<1x128xf32>
      %add3A_212 = arith.constant 5.000000e-01 : f32
      %add3A_213 = vector.broadcast %add3A_212 : f32 to vector<1x128xf32>
      %add3A_214 = arith.addf %mul3A_211, %add3A_213 : vector<1x128xf32>
      %slice3A_215 = vector.extract_strided_slice %add3A_192 {offsets = [0, 256], sizes = [1, 128], strides = [1, 1]} : vector<1x512xf32> to vector<1x128xf32>
      %tanh3A_216 = math.tanh %slice3A_215 : vector<1x128xf32>
      %slice3A_217 = vector.extract_strided_slice %add3A_192 {offsets = [0, 384], sizes = [1, 128], strides = [1, 1]} : vector<1x512xf32> to vector<1x128xf32>
      %mul3A_218 = arith.constant 5.000000e-01 : f32
      %mul3A_219 = vector.broadcast %mul3A_218 : f32 to vector<1x128xf32>
      %mul3A_220 = arith.mulf %mul3A_219, %slice3A_217 : vector<1x128xf32>
      %tanh3A_221 = math.tanh %mul3A_220 : vector<1x128xf32>
      %mul3A_222 = arith.constant 5.000000e-01 : f32
      %mul3A_223 = vector.broadcast %mul3A_222 : f32 to vector<1x128xf32>
      %mul3A_224 = arith.mulf %mul3A_223, %tanh3A_221 : vector<1x128xf32>
      %add3A_225 = arith.constant 5.000000e-01 : f32
      %add3A_226 = vector.broadcast %add3A_225 : f32 to vector<1x128xf32>
      %add3A_227 = arith.addf %mul3A_224, %add3A_226 : vector<1x128xf32>
      %mul3A_228 = arith.mulf %add3A_214, %add3A_128 : vector<1x128xf32>
      %mul3A_229 = arith.mulf %add3A_203, %tanh3A_216 : vector<1x128xf32>
      %add3A_230 = arith.addf %mul3A_228, %mul3A_229 : vector<1x128xf32>
      %tanh3A_231 = math.tanh %add3A_230 : vector<1x128xf32>
      %mul3A_232 = arith.mulf %add3A_227, %tanh3A_231 : vector<1x128xf32>
      %swap3A_233 = arith.index_cast %sub3A_186 : i32 to index
      %swap3A_234 = arith.constant 0 : index
      %swap3A_235 = vector.load %arg6[%swap3A_233, %swap3A_234] : memref<1000x128xf32, #tpu.memory_space<vmem>>, vector<1x128xf32>
      tpu.vector_store %arg6[%swap3A_233, %swap3A_234], %mul3A_232 {strides = array<i32>} : memref<1000x128xf32, #tpu.memory_space<vmem>>, vector<1x128xf32>,
      %scan3A_236 = arith.constant 2 : i32
      %scan3A_237 = arith.addi %scan3A_35, %scan3A_236 : i32
      %get3A_238 = arith.index_cast %scan3A_237 : i32 to index
      %get3A_239 = arith.constant 0 : index
      %get3A_240 = vector.load %arg1[%get3A_238, %get3A_239] : memref<1000x512xf32, #tpu.memory_space<vmem>>, vector<1x512xf32>
      %dot_general3A_241 = arith.constant dense<0.000000e+00> : vector<1x512xf32>
      %dot_general3A_242 = tpu.matmul %mul3A_181, %get3A_3, %dot_general3A_241 {dimension_numbers = #tpu.dot_dimension_numbers<[1], [0], [0], [1], [0, 0, 1, 1], [], []>, transpose_lhs_hint = false} : vector<1x128xf32>, vector<128x512xf32>, vector<1x512xf32> -> vector<1x512xf32>
      %add3A_243 = arith.addf %get3A_240, %dot_general3A_242 : vector<1x512xf32>
      %slice3A_244 = vector.extract_strided_slice %add3A_243 {offsets = [0, 0], sizes = [1, 128], strides = [1, 1]} : vector<1x512xf32> to vector<1x128xf32>
      %mul3A_245 = arith.constant 5.000000e-01 : f32
      %mul3A_246 = vector.broadcast %mul3A_245 : f32 to vector<1x128xf32>
      %mul3A_247 = arith.mulf %mul3A_246, %slice3A_244 : vector<1x128xf32>
      %tanh3A_248 = math.tanh %mul3A_247 : vector<1x128xf32>
      %mul3A_249 = arith.constant 5.000000e-01 : f32
      %mul3A_250 = vector.broadcast %mul3A_249 : f32 to vector<1x128xf32>
      %mul3A_251 = arith.mulf %mul3A_250, %tanh3A_248 : vector<1x128xf32>
      %add3A_252 = arith.constant 5.000000e-01 : f32
      %add3A_253 = vector.broadcast %add3A_252 : f32 to vector<1x128xf32>
      %add3A_254 = arith.addf %mul3A_251, %add3A_253 : vector<1x128xf32>
      %slice3A_255 = vector.extract_strided_slice %add3A_243 {offsets = [0, 128], sizes = [1, 128], strides = [1, 1]} : vector<1x512xf32> to vector<1x128xf32>
      %mul3A_256 = arith.constant 5.000000e-01 : f32
      %mul3A_257 = vector.broadcast %mul3A_256 : f32 to vector<1x128xf32>
      %mul3A_258 = arith.mulf %mul3A_257, %slice3A_255 : vector<1x128xf32>
      %tanh3A_259 = math.tanh %mul3A_258 : vector<1x128xf32>
      %mul3A_260 = arith.constant 5.000000e-01 : f32
      %mul3A_261 = vector.broadcast %mul3A_260 : f32 to vector<1x128xf32>
      %mul3A_262 = arith.mulf %mul3A_261, %tanh3A_259 : vector<1x128xf32>
      %add3A_263 = arith.constant 5.000000e-01 : f32
      %add3A_264 = vector.broadcast %add3A_263 : f32 to vector<1x128xf32>
      %add3A_265 = arith.addf %mul3A_262, %add3A_264 : vector<1x128xf32>
      %slice3A_266 = vector.extract_strided_slice %add3A_243 {offsets = [0, 256], sizes = [1, 128], strides = [1, 1]} : vector<1x512xf32> to vector<1x128xf32>
      %tanh3A_267 = math.tanh %slice3A_266 : vector<1x128xf32>
      %slice3A_268 = vector.extract_strided_slice %add3A_243 {offsets = [0, 384], sizes = [1, 128], strides = [1, 1]} : vector<1x512xf32> to vector<1x128xf32>
      %mul3A_269 = arith.constant 5.000000e-01 : f32
      %mul3A_270 = vector.broadcast %mul3A_269 : f32 to vector<1x128xf32>
      %mul3A_271 = arith.mulf %mul3A_270, %slice3A_268 : vector<1x128xf32>
      %tanh3A_272 = math.tanh %mul3A_271 : vector<1x128xf32>
      %mul3A_273 = arith.constant 5.000000e-01 : f32
      %mul3A_274 = vector.broadcast %mul3A_273 : f32 to vector<1x128xf32>
      %mul3A_275 = arith.mulf %mul3A_274, %tanh3A_272 : vector<1x128xf32>
      %add3A_276 = arith.constant 5.000000e-01 : f32
      %add3A_277 = vector.broadcast %add3A_276 : f32 to vector<1x128xf32>
      %add3A_278 = arith.addf %mul3A_275, %add3A_277 : vector<1x128xf32>
      %mul3A_279 = arith.mulf %add3A_265, %add3A_179 : vector<1x128xf32>
      %mul3A_280 = arith.mulf %add3A_254, %tanh3A_267 : vector<1x128xf32>
      %add3A_281 = arith.addf %mul3A_279, %mul3A_280 : vector<1x128xf32>
      %tanh3A_282 = math.tanh %add3A_281 : vector<1x128xf32>
      %mul3A_283 = arith.mulf %add3A_278, %tanh3A_282 : vector<1x128xf32>
      %swap3A_284 = arith.index_cast %scan3A_237 : i32 to index
      %swap3A_285 = arith.constant 0 : index
      %swap3A_286 = vector.load %arg5[%swap3A_284, %swap3A_285] : memref<1000x128xf32, #tpu.memory_space<vmem>>, vector<1x128xf32>
      tpu.vector_store %arg5[%swap3A_284, %swap3A_285], %mul3A_283 {strides = array<i32>} : memref<1000x128xf32, #tpu.memory_space<vmem>>, vector<1x128xf32>,
      %sub3A_287 = arith.constant 999 : i32
      %sub3A_288 = arith.subi %sub3A_287, %scan3A_237 : i32
      %get3A_289 = arith.index_cast %sub3A_288 : i32 to index
      %get3A_290 = arith.constant 0 : index
      %get3A_291 = vector.load %arg2[%get3A_289, %get3A_290] : memref<1000x512xf32, #tpu.memory_space<vmem>>, vector<1x512xf32>
      %dot_general3A_292 = arith.constant dense<0.000000e+00> : vector<1x512xf32>
      %dot_general3A_293 = tpu.matmul %mul3A_232, %get3A_6, %dot_general3A_292 {dimension_numbers = #tpu.dot_dimension_numbers<[1], [0], [0], [1], [0, 0, 1, 1], [], []>, transpose_lhs_hint = false} : vector<1x128xf32>, vector<128x512xf32>, vector<1x512xf32> -> vector<1x512xf32>
      %add3A_294 = arith.addf %get3A_291, %dot_general3A_293 : vector<1x512xf32>
      %slice3A_295 = vector.extract_strided_slice %add3A_294 {offsets = [0, 0], sizes = [1, 128], strides = [1, 1]} : vector<1x512xf32> to vector<1x128xf32>
      %mul3A_296 = arith.constant 5.000000e-01 : f32
      %mul3A_297 = vector.broadcast %mul3A_296 : f32 to vector<1x128xf32>
      %mul3A_298 = arith.mulf %mul3A_297, %slice3A_295 : vector<1x128xf32>
      %tanh3A_299 = math.tanh %mul3A_298 : vector<1x128xf32>
      %mul3A_300 = arith.constant 5.000000e-01 : f32
      %mul3A_301 = vector.broadcast %mul3A_300 : f32 to vector<1x128xf32>
      %mul3A_302 = arith.mulf %mul3A_301, %tanh3A_299 : vector<1x128xf32>
      %add3A_303 = arith.constant 5.000000e-01 : f32
      %add3A_304 = vector.broadcast %add3A_303 : f32 to vector<1x128xf32>
      %add3A_305 = arith.addf %mul3A_302, %add3A_304 : vector<1x128xf32>
      %slice3A_306 = vector.extract_strided_slice %add3A_294 {offsets = [0, 128], sizes = [1, 128], strides = [1, 1]} : vector<1x512xf32> to vector<1x128xf32>
      %mul3A_307 = arith.constant 5.000000e-01 : f32
      %mul3A_308 = vector.broadcast %mul3A_307 : f32 to vector<1x128xf32>
      %mul3A_309 = arith.mulf %mul3A_308, %slice3A_306 : vector<1x128xf32>
      %tanh3A_310 = math.tanh %mul3A_309 : vector<1x128xf32>
      %mul3A_311 = arith.constant 5.000000e-01 : f32
      %mul3A_312 = vector.broadcast %mul3A_311 : f32 to vector<1x128xf32>
      %mul3A_313 = arith.mulf %mul3A_312, %tanh3A_310 : vector<1x128xf32>
      %add3A_314 = arith.constant 5.000000e-01 : f32
      %add3A_315 = vector.broadcast %add3A_314 : f32 to vector<1x128xf32>
      %add3A_316 = arith.addf %mul3A_313, %add3A_315 : vector<1x128xf32>
      %slice3A_317 = vector.extract_strided_slice %add3A_294 {offsets = [0, 256], sizes = [1, 128], strides = [1, 1]} : vector<1x512xf32> to vector<1x128xf32>
      %tanh3A_318 = math.tanh %slice3A_317 : vector<1x128xf32>
      %slice3A_319 = vector.extract_strided_slice %add3A_294 {offsets = [0, 384], sizes = [1, 128], strides = [1, 1]} : vector<1x512xf32> to vector<1x128xf32>
      %mul3A_320 = arith.constant 5.000000e-01 : f32
      %mul3A_321 = vector.broadcast %mul3A_320 : f32 to vector<1x128xf32>
      %mul3A_322 = arith.mulf %mul3A_321, %slice3A_319 : vector<1x128xf32>
      %tanh3A_323 = math.tanh %mul3A_322 : vector<1x128xf32>
      %mul3A_324 = arith.constant 5.000000e-01 : f32
      %mul3A_325 = vector.broadcast %mul3A_324 : f32 to vector<1x128xf32>
      %mul3A_326 = arith.mulf %mul3A_325, %tanh3A_323 : vector<1x128xf32>
      %add3A_327 = arith.constant 5.000000e-01 : f32
      %add3A_328 = vector.broadcast %add3A_327 : f32 to vector<1x128xf32>
      %add3A_329 = arith.addf %mul3A_326, %add3A_328 : vector<1x128xf32>
      %mul3A_330 = arith.mulf %add3A_316, %add3A_230 : vector<1x128xf32>
      %mul3A_331 = arith.mulf %add3A_305, %tanh3A_318 : vector<1x128xf32>
      %add3A_332 = arith.addf %mul3A_330, %mul3A_331 : vector<1x128xf32>
      %tanh3A_333 = math.tanh %add3A_332 : vector<1x128xf32>
      %mul3A_334 = arith.mulf %add3A_329, %tanh3A_333 : vector<1x128xf32>
      %swap3A_335 = arith.index_cast %sub3A_288 : i32 to index
      %swap3A_336 = arith.constant 0 : index
      %swap3A_337 = vector.load %arg6[%swap3A_335, %swap3A_336] : memref<1000x128xf32, #tpu.memory_space<vmem>>, vector<1x128xf32>
      tpu.vector_store %arg6[%swap3A_335, %swap3A_336], %mul3A_334 {strides = array<i32>} : memref<1000x128xf32, #tpu.memory_space<vmem>>, vector<1x128xf32>,
      %scan3A_338 = arith.constant 3 : i32
      %scan3A_339 = arith.addi %scan3A_35, %scan3A_338 : i32
      %get3A_340 = arith.index_cast %scan3A_339 : i32 to index
      %get3A_341 = arith.constant 0 : index
      %get3A_342 = vector.load %arg1[%get3A_340, %get3A_341] : memref<1000x512xf32, #tpu.memory_space<vmem>>, vector<1x512xf32>
      %dot_general3A_343 = arith.constant dense<0.000000e+00> : vector<1x512xf32>
      %dot_general3A_344 = tpu.matmul %mul3A_283, %get3A_3, %dot_general3A_343 {dimension_numbers = #tpu.dot_dimension_numbers<[1], [0], [0], [1], [0, 0, 1, 1], [], []>, transpose_lhs_hint = false} : vector<1x128xf32>, vector<128x512xf32>, vector<1x512xf32> -> vector<1x512xf32>
      %add3A_345 = arith.addf %get3A_342, %dot_general3A_344 : vector<1x512xf32>
      %slice3A_346 = vector.extract_strided_slice %add3A_345 {offsets = [0, 0], sizes = [1, 128], strides = [1, 1]} : vector<1x512xf32> to vector<1x128xf32>
      %mul3A_347 = arith.constant 5.000000e-01 : f32
      %mul3A_348 = vector.broadcast %mul3A_347 : f32 to vector<1x128xf32>
      %mul3A_349 = arith.mulf %mul3A_348, %slice3A_346 : vector<1x128xf32>
      %tanh3A_350 = math.tanh %mul3A_349 : vector<1x128xf32>
      %mul3A_351 = arith.constant 5.000000e-01 : f32
      %mul3A_352 = vector.broadcast %mul3A_351 : f32 to vector<1x128xf32>
      %mul3A_353 = arith.mulf %mul3A_352, %tanh3A_350 : vector<1x128xf32>
      %add3A_354 = arith.constant 5.000000e-01 : f32
      %add3A_355 = vector.broadcast %add3A_354 : f32 to vector<1x128xf32>
      %add3A_356 = arith.addf %mul3A_353, %add3A_355 : vector<1x128xf32>
      %slice3A_357 = vector.extract_strided_slice %add3A_345 {offsets = [0, 128], sizes = [1, 128], strides = [1, 1]} : vector<1x512xf32> to vector<1x128xf32>
      %mul3A_358 = arith.constant 5.000000e-01 : f32
      %mul3A_359 = vector.broadcast %mul3A_358 : f32 to vector<1x128xf32>
      %mul3A_360 = arith.mulf %mul3A_359, %slice3A_357 : vector<1x128xf32>
      %tanh3A_361 = math.tanh %mul3A_360 : vector<1x128xf32>
      %mul3A_362 = arith.constant 5.000000e-01 : f32
      %mul3A_363 = vector.broadcast %mul3A_362 : f32 to vector<1x128xf32>
      %mul3A_364 = arith.mulf %mul3A_363, %tanh3A_361 : vector<1x128xf32>
      %add3A_365 = arith.constant 5.000000e-01 : f32
      %add3A_366 = vector.broadcast %add3A_365 : f32 to vector<1x128xf32>
      %add3A_367 = arith.addf %mul3A_364, %add3A_366 : vector<1x128xf32>
      %slice3A_368 = vector.extract_strided_slice %add3A_345 {offsets = [0, 256], sizes = [1, 128], strides = [1, 1]} : vector<1x512xf32> to vector<1x128xf32>
      %tanh3A_369 = math.tanh %slice3A_368 : vector<1x128xf32>
      %slice3A_370 = vector.extract_strided_slice %add3A_345 {offsets = [0, 384], sizes = [1, 128], strides = [1, 1]} : vector<1x512xf32> to vector<1x128xf32>
      %mul3A_371 = arith.constant 5.000000e-01 : f32
      %mul3A_372 = vector.broadcast %mul3A_371 : f32 to vector<1x128xf32>
      %mul3A_373 = arith.mulf %mul3A_372, %slice3A_370 : vector<1x128xf32>
      %tanh3A_374 = math.tanh %mul3A_373 : vector<1x128xf32>
      %mul3A_375 = arith.constant 5.000000e-01 : f32
      %mul3A_376 = vector.broadcast %mul3A_375 : f32 to vector<1x128xf32>
      %mul3A_377 = arith.mulf %mul3A_376, %tanh3A_374 : vector<1x128xf32>
      %add3A_378 = arith.constant 5.000000e-01 : f32
      %add3A_379 = vector.broadcast %add3A_378 : f32 to vector<1x128xf32>
      %add3A_380 = arith.addf %mul3A_377, %add3A_379 : vector<1x128xf32>
      %mul3A_381 = arith.mulf %add3A_367, %add3A_281 : vector<1x128xf32>
      %mul3A_382 = arith.mulf %add3A_356, %tanh3A_369 : vector<1x128xf32>
      %add3A_383 = arith.addf %mul3A_381, %mul3A_382 : vector<1x128xf32>
      %tanh3A_384 = math.tanh %add3A_383 : vector<1x128xf32>
      %mul3A_385 = arith.mulf %add3A_380, %tanh3A_384 : vector<1x128xf32>
      %swap3A_386 = arith.index_cast %scan3A_339 : i32 to index
      %swap3A_387 = arith.constant 0 : index
      %swap3A_388 = vector.load %arg5[%swap3A_386, %swap3A_387] : memref<1000x128xf32, #tpu.memory_space<vmem>>, vector<1x128xf32>
      tpu.vector_store %arg5[%swap3A_386, %swap3A_387], %mul3A_385 {strides = array<i32>} : memref<1000x128xf32, #tpu.memory_space<vmem>>, vector<1x128xf32>,
      %sub3A_389 = arith.constant 999 : i32
      %sub3A_390 = arith.subi %sub3A_389, %scan3A_339 : i32
      %get3A_391 = arith.index_cast %sub3A_390 : i32 to index
      %get3A_392 = arith.constant 0 : index
      %get3A_393 = vector.load %arg2[%get3A_391, %get3A_392] : memref<1000x512xf32, #tpu.memory_space<vmem>>, vector<1x512xf32>
      %dot_general3A_394 = arith.constant dense<0.000000e+00> : vector<1x512xf32>
      %dot_general3A_395 = tpu.matmul %mul3A_334, %get3A_6, %dot_general3A_394 {dimension_numbers = #tpu.dot_dimension_numbers<[1], [0], [0], [1], [0, 0, 1, 1], [], []>, transpose_lhs_hint = false} : vector<1x128xf32>, vector<128x512xf32>, vector<1x512xf32> -> vector<1x512xf32>
      %add3A_396 = arith.addf %get3A_393, %dot_general3A_395 : vector<1x512xf32>
      %slice3A_397 = vector.extract_strided_slice %add3A_396 {offsets = [0, 0], sizes = [1, 128], strides = [1, 1]} : vector<1x512xf32> to vector<1x128xf32>
      %mul3A_398 = arith.constant 5.000000e-01 : f32
      %mul3A_399 = vector.broadcast %mul3A_398 : f32 to vector<1x128xf32>
      %mul3A_400 = arith.mulf %mul3A_399, %slice3A_397 : vector<1x128xf32>
      %tanh3A_401 = math.tanh %mul3A_400 : vector<1x128xf32>
      %mul3A_402 = arith.constant 5.000000e-01 : f32
      %mul3A_403 = vector.broadcast %mul3A_402 : f32 to vector<1x128xf32>
      %mul3A_404 = arith.mulf %mul3A_403, %tanh3A_401 : vector<1x128xf32>
      %add3A_405 = arith.constant 5.000000e-01 : f32
      %add3A_406 = vector.broadcast %add3A_405 : f32 to vector<1x128xf32>
      %add3A_407 = arith.addf %mul3A_404, %add3A_406 : vector<1x128xf32>
      %slice3A_408 = vector.extract_strided_slice %add3A_396 {offsets = [0, 128], sizes = [1, 128], strides = [1, 1]} : vector<1x512xf32> to vector<1x128xf32>
      %mul3A_409 = arith.constant 5.000000e-01 : f32
      %mul3A_410 = vector.broadcast %mul3A_409 : f32 to vector<1x128xf32>
      %mul3A_411 = arith.mulf %mul3A_410, %slice3A_408 : vector<1x128xf32>
      %tanh3A_412 = math.tanh %mul3A_411 : vector<1x128xf32>
      %mul3A_413 = arith.constant 5.000000e-01 : f32
      %mul3A_414 = vector.broadcast %mul3A_413 : f32 to vector<1x128xf32>
      %mul3A_415 = arith.mulf %mul3A_414, %tanh3A_412 : vector<1x128xf32>
      %add3A_416 = arith.constant 5.000000e-01 : f32
      %add3A_417 = vector.broadcast %add3A_416 : f32 to vector<1x128xf32>
      %add3A_418 = arith.addf %mul3A_415, %add3A_417 : vector<1x128xf32>
      %slice3A_419 = vector.extract_strided_slice %add3A_396 {offsets = [0, 256], sizes = [1, 128], strides = [1, 1]} : vector<1x512xf32> to vector<1x128xf32>
      %tanh3A_420 = math.tanh %slice3A_419 : vector<1x128xf32>
      %slice3A_421 = vector.extract_strided_slice %add3A_396 {offsets = [0, 384], sizes = [1, 128], strides = [1, 1]} : vector<1x512xf32> to vector<1x128xf32>
      %mul3A_422 = arith.constant 5.000000e-01 : f32
      %mul3A_423 = vector.broadcast %mul3A_422 : f32 to vector<1x128xf32>
      %mul3A_424 = arith.mulf %mul3A_423, %slice3A_421 : vector<1x128xf32>
      %tanh3A_425 = math.tanh %mul3A_424 : vector<1x128xf32>
      %mul3A_426 = arith.constant 5.000000e-01 : f32
      %mul3A_427 = vector.broadcast %mul3A_426 : f32 to vector<1x128xf32>
      %mul3A_428 = arith.mulf %mul3A_427, %tanh3A_425 : vector<1x128xf32>
      %add3A_429 = arith.constant 5.000000e-01 : f32
      %add3A_430 = vector.broadcast %add3A_429 : f32 to vector<1x128xf32>
      %add3A_431 = arith.addf %mul3A_428, %add3A_430 : vector<1x128xf32>
      %mul3A_432 = arith.mulf %add3A_418, %add3A_332 : vector<1x128xf32>
      %mul3A_433 = arith.mulf %add3A_407, %tanh3A_420 : vector<1x128xf32>
      %add3A_434 = arith.addf %mul3A_432, %mul3A_433 : vector<1x128xf32>
      %tanh3A_435 = math.tanh %add3A_434 : vector<1x128xf32>
      %mul3A_436 = arith.mulf %add3A_431, %tanh3A_435 : vector<1x128xf32>
      %swap3A_437 = arith.index_cast %sub3A_390 : i32 to index
      %swap3A_438 = arith.constant 0 : index
      %swap3A_439 = vector.load %arg6[%swap3A_437, %swap3A_438] : memref<1000x128xf32, #tpu.memory_space<vmem>>, vector<1x128xf32>
      tpu.vector_store %arg6[%swap3A_437, %swap3A_438], %mul3A_436 {strides = array<i32>} : memref<1000x128xf32, #tpu.memory_space<vmem>>, vector<1x128xf32>,
      scf.yield %mul3A_385, %add3A_383, %mul3A_436, %add3A_434 : vector<1x128xf32>, vector<1x128xf32>, vector<1x128xf32>, vector<1x128xf32>
    }
    %scan3A_23 = arith.constant 1000 : i32
    %swap3A = arith.constant 0 : index
    %swap3A_24 = arith.constant 0 : index
    %swap3A_25 = vector.load %arg7[%swap3A, %swap3A_24] : memref<1x128xf32, #tpu.memory_space<vmem>>, vector<1x128xf32>
    tpu.vector_store %arg7[%swap3A, %swap3A_24], %scan3A_22#0 {strides = array<i32>} : memref<1x128xf32, #tpu.memory_space<vmem>>, vector<1x128xf32>,
    %swap3A_26 = arith.constant 0 : index
    %swap3A_27 = arith.constant 0 : index
    %swap3A_28 = vector.load %arg8[%swap3A_26, %swap3A_27] : memref<1x128xf32, #tpu.memory_space<vmem>>, vector<1x128xf32>
    tpu.vector_store %arg8[%swap3A_26, %swap3A_27], %scan3A_22#1 {strides = array<i32>} : memref<1x128xf32, #tpu.memory_space<vmem>>, vector<1x128xf32>,
    %swap3A_29 = arith.constant 0 : index
    %swap3A_30 = arith.constant 0 : index
    %swap3A_31 = vector.load %arg9[%swap3A_29, %swap3A_30] : memref<1x128xf32, #tpu.memory_space<vmem>>, vector<1x128xf32>
    tpu.vector_store %arg9[%swap3A_29, %swap3A_30], %scan3A_22#2 {strides = array<i32>} : memref<1x128xf32, #tpu.memory_space<vmem>>, vector<1x128xf32>,
    %swap3A_32 = arith.constant 0 : index
    %swap3A_33 = arith.constant 0 : index
    %swap3A_34 = vector.load %arg10[%swap3A_32, %swap3A_33] : memref<1x128xf32, #tpu.memory_space<vmem>>, vector<1x128xf32>
    tpu.vector_store %arg10[%swap3A_32, %swap3A_33], %scan3A_22#3 {strides = array<i32>} : memref<1x128xf32, #tpu.memory_space<vmem>>, vector<1x128xf32>,
    return
  }
  func.func @transform_0(%arg0: i32) -> (i32, i32) {
    %c0_i32 = arith.constant 0 : i32
    %c0_i32_0 = arith.constant 0 : i32
    return %arg0, %c0_i32 : i32, i32
  }
  func.func @transform_1(%arg0: i32) -> (i32, i32) {
    %sub3A = arith.constant 9 : i32
    %sub3A_0 = arith.subi %sub3A, %arg0 : i32
    %c0_i32 = arith.constant 0 : i32
    %c0_i32_1 = arith.constant 0 : i32
    return %sub3A_0, %c0_i32 : i32, i32
  }
  func.func @transform_2(%arg0: i32) -> (i32, i32) {
    %c0_i32 = arith.constant 0 : i32
    %c0_i32_0 = arith.constant 0 : i32
    %c0_i32_1 = arith.constant 0 : i32
    return %c0_i32, %c0_i32_0 : i32, i32
  }
  func.func @transform_3(%arg0: i32) -> (i32, i32) {
    %c0_i32 = arith.constant 0 : i32
    %c0_i32_0 = arith.constant 0 : i32
    %c0_i32_1 = arith.constant 0 : i32
    return %c0_i32, %c0_i32_0 : i32, i32
  }
  func.func @transform_4(%arg0: i32) -> (i32, i32) {
    %c0_i32 = arith.constant 0 : i32
    %c0_i32_0 = arith.constant 0 : i32
    return %arg0, %c0_i32 : i32, i32
  }
  func.func @transform_5(%arg0: i32) -> (i32, i32) {
    %sub3A = arith.constant 9 : i32
    %sub3A_0 = arith.subi %sub3A, %arg0 : i32
    %c0_i32 = arith.constant 0 : i32
    %c0_i32_1 = arith.constant 0 : i32
    return %sub3A_0, %c0_i32 : i32, i32
  }
}

module attributes {stable_mosaic.version = 14 : i64} {
  func.func @_proj1_body(%arg0: i32, %arg1: memref<1000x128xf32, #tpu.memory_space<vmem>>, %arg2: memref<1000x128xf32, #tpu.memory_space<vmem>>, %arg3: memref<128x512xf32, #tpu.memory_space<vmem>>, %arg4: memref<128x512xf32, #tpu.memory_space<vmem>>, %arg5: memref<128x512xf32, #tpu.memory_space<vmem>>, %arg6: memref<128x512xf32, #tpu.memory_space<vmem>>, %arg7: memref<1x512xf32, #tpu.memory_space<vmem>>, %arg8: memref<1x512xf32, #tpu.memory_space<vmem>>, %arg9: memref<1000x512xf32, #tpu.memory_space<vmem>>, %arg10: memref<1000x512xf32, #tpu.memory_space<vmem>>) attributes {dimension_semantics = [#tpu.dimension_semantics<arbitrary>], iteration_bounds = array<i64: 10>, scalar_prefetch = 0 : i64, scratch_operands = 0 : i64, tpu.core_type = #tpu.core_type<tc>, window_params = [{transform_indices = @transform_0, window_bounds = array<i64: 1000, 128>}, {transform_indices = @transform_1, window_bounds = array<i64: 1000, 128>}, {pipeline_mode = #tpu.pipeline_mode<synchronous>, transform_indices = @transform_2, window_bounds = array<i64: 128, 512>}, {pipeline_mode = #tpu.pipeline_mode<synchronous>, transform_indices = @transform_3, window_bounds = array<i64: 128, 512>}, {pipeline_mode = #tpu.pipeline_mode<synchronous>, transform_indices = @transform_4, window_bounds = array<i64: 128, 512>}, {pipeline_mode = #tpu.pipeline_mode<synchronous>, transform_indices = @transform_5, window_bounds = array<i64: 128, 512>}, {pipeline_mode = #tpu.pipeline_mode<synchronous>, transform_indices = @transform_6, window_bounds = array<i64: 1, 512>}, {pipeline_mode = #tpu.pipeline_mode<synchronous>, transform_indices = @transform_7, window_bounds = array<i64: 1, 512>}, {transform_indices = @transform_8, window_bounds = array<i64: 1000, 512>}, {transform_indices = @transform_9, window_bounds = array<i64: 1000, 512>}]} {
    %get3A = arith.constant 0 : index
    %get3A_0 = arith.constant 0 : index
    %get3A_1 = vector.load %arg1[%get3A, %get3A_0] : memref<1000x128xf32, #tpu.memory_space<vmem>>, vector<1000x128xf32>
    %get3A_2 = arith.constant 0 : index
    %get3A_3 = arith.constant 0 : index
    %get3A_4 = vector.load %arg2[%get3A_2, %get3A_3] : memref<1000x128xf32, #tpu.memory_space<vmem>>, vector<1000x128xf32>
    %get3A_5 = arith.constant 0 : index
    %get3A_6 = arith.constant 0 : index
    %get3A_7 = vector.load %arg3[%get3A_5, %get3A_6] : memref<128x512xf32, #tpu.memory_space<vmem>>, vector<128x512xf32>
    %dot_general3A = arith.constant dense<0.000000e+00> : vector<1000x512xf32>
    %dot_general3A_8 = tpu.matmul %get3A_1, %get3A_7, %dot_general3A {dimension_numbers = #tpu.dot_dimension_numbers<[1], [0], [0], [1], [0, 0, 1, 1], [], []>, transpose_lhs_hint = false} : vector<1000x128xf32>, vector<128x512xf32>, vector<1000x512xf32> -> vector<1000x512xf32>
    %get3A_9 = arith.constant 0 : index
    %get3A_10 = arith.constant 0 : index
    %get3A_11 = vector.load %arg4[%get3A_9, %get3A_10] : memref<128x512xf32, #tpu.memory_space<vmem>>, vector<128x512xf32>
    %dot_general3A_12 = arith.constant dense<0.000000e+00> : vector<1000x512xf32>
    %dot_general3A_13 = tpu.matmul %get3A_4, %get3A_11, %dot_general3A_12 {dimension_numbers = #tpu.dot_dimension_numbers<[1], [0], [0], [1], [0, 0, 1, 1], [], []>, transpose_lhs_hint = false} : vector<1000x128xf32>, vector<128x512xf32>, vector<1000x512xf32> -> vector<1000x512xf32>
    %add3A = arith.addf %dot_general3A_8, %dot_general3A_13 : vector<1000x512xf32>
    %get3A_14 = arith.constant 0 : index
    %get3A_15 = arith.constant 0 : index
    %get3A_16 = vector.load %arg7[%get3A_14, %get3A_15] : memref<1x512xf32, #tpu.memory_space<vmem>>, vector<1x512xf32>
    %add3A_17 = vector.broadcast %get3A_16 : vector<1x512xf32> to vector<1000x512xf32>
    %add3A_18 = arith.addf %add3A, %add3A_17 : vector<1000x512xf32>
    %swap3A = arith.constant 0 : index
    %swap3A_19 = arith.constant 0 : index
    %swap3A_20 = vector.load %arg9[%swap3A, %swap3A_19] : memref<1000x512xf32, #tpu.memory_space<vmem>>, vector<1000x512xf32>
    tpu.vector_store %arg9[%swap3A, %swap3A_19], %add3A_18 {strides = array<i32>} : memref<1000x512xf32, #tpu.memory_space<vmem>>, vector<1000x512xf32>,
    %get3A_21 = arith.constant 0 : index
    %get3A_22 = arith.constant 0 : index
    %get3A_23 = vector.load %arg5[%get3A_21, %get3A_22] : memref<128x512xf32, #tpu.memory_space<vmem>>, vector<128x512xf32>
    %dot_general3A_24 = arith.constant dense<0.000000e+00> : vector<1000x512xf32>
    %dot_general3A_25 = tpu.matmul %get3A_1, %get3A_23, %dot_general3A_24 {dimension_numbers = #tpu.dot_dimension_numbers<[1], [0], [0], [1], [0, 0, 1, 1], [], []>, transpose_lhs_hint = false} : vector<1000x128xf32>, vector<128x512xf32>, vector<1000x512xf32> -> vector<1000x512xf32>
    %get3A_26 = arith.constant 0 : index
    %get3A_27 = arith.constant 0 : index
    %get3A_28 = vector.load %arg6[%get3A_26, %get3A_27] : memref<128x512xf32, #tpu.memory_space<vmem>>, vector<128x512xf32>
    %dot_general3A_29 = arith.constant dense<0.000000e+00> : vector<1000x512xf32>
    %dot_general3A_30 = tpu.matmul %get3A_4, %get3A_28, %dot_general3A_29 {dimension_numbers = #tpu.dot_dimension_numbers<[1], [0], [0], [1], [0, 0, 1, 1], [], []>, transpose_lhs_hint = false} : vector<1000x128xf32>, vector<128x512xf32>, vector<1000x512xf32> -> vector<1000x512xf32>
    %add3A_31 = arith.addf %dot_general3A_25, %dot_general3A_30 : vector<1000x512xf32>
    %get3A_32 = arith.constant 0 : index
    %get3A_33 = arith.constant 0 : index
    %get3A_34 = vector.load %arg8[%get3A_32, %get3A_33] : memref<1x512xf32, #tpu.memory_space<vmem>>, vector<1x512xf32>
    %add3A_35 = vector.broadcast %get3A_34 : vector<1x512xf32> to vector<1000x512xf32>
    %add3A_36 = arith.addf %add3A_31, %add3A_35 : vector<1000x512xf32>
    %swap3A_37 = arith.constant 0 : index
    %swap3A_38 = arith.constant 0 : index
    %swap3A_39 = vector.load %arg10[%swap3A_37, %swap3A_38] : memref<1000x512xf32, #tpu.memory_space<vmem>>, vector<1000x512xf32>
    tpu.vector_store %arg10[%swap3A_37, %swap3A_38], %add3A_36 {strides = array<i32>} : memref<1000x512xf32, #tpu.memory_space<vmem>>, vector<1000x512xf32>,
    return
  }
  func.func @transform_0(%arg0: i32) -> (i32, i32) {
    %c0_i32 = arith.constant 0 : i32
    %c0_i32_0 = arith.constant 0 : i32
    return %arg0, %c0_i32 : i32, i32
  }
  func.func @transform_1(%arg0: i32) -> (i32, i32) {
    %c0_i32 = arith.constant 0 : i32
    %c0_i32_0 = arith.constant 0 : i32
    return %arg0, %c0_i32 : i32, i32
  }
  func.func @transform_2(%arg0: i32) -> (i32, i32) {
    %c0_i32 = arith.constant 0 : i32
    %c0_i32_0 = arith.constant 0 : i32
    %c0_i32_1 = arith.constant 0 : i32
    return %c0_i32, %c0_i32_0 : i32, i32
  }
  func.func @transform_3(%arg0: i32) -> (i32, i32) {
    %c0_i32 = arith.constant 0 : i32
    %c0_i32_0 = arith.constant 0 : i32
    %c0_i32_1 = arith.constant 0 : i32
    return %c0_i32, %c0_i32_0 : i32, i32
  }
  func.func @transform_4(%arg0: i32) -> (i32, i32) {
    %c0_i32 = arith.constant 0 : i32
    %c0_i32_0 = arith.constant 0 : i32
    %c0_i32_1 = arith.constant 0 : i32
    return %c0_i32, %c0_i32_0 : i32, i32
  }
  func.func @transform_5(%arg0: i32) -> (i32, i32) {
    %c0_i32 = arith.constant 0 : i32
    %c0_i32_0 = arith.constant 0 : i32
    %c0_i32_1 = arith.constant 0 : i32
    return %c0_i32, %c0_i32_0 : i32, i32
  }
  func.func @transform_6(%arg0: i32) -> (i32, i32) {
    %c0_i32 = arith.constant 0 : i32
    %c0_i32_0 = arith.constant 0 : i32
    %c0_i32_1 = arith.constant 0 : i32
    return %c0_i32, %c0_i32_0 : i32, i32
  }
  func.func @transform_7(%arg0: i32) -> (i32, i32) {
    %c0_i32 = arith.constant 0 : i32
    %c0_i32_0 = arith.constant 0 : i32
    %c0_i32_1 = arith.constant 0 : i32
    return %c0_i32, %c0_i32_0 : i32, i32
  }
  func.func @transform_8(%arg0: i32) -> (i32, i32) {
    %c0_i32 = arith.constant 0 : i32
    %c0_i32_0 = arith.constant 0 : i32
    return %arg0, %c0_i32 : i32, i32
  }
  func.func @transform_9(%arg0: i32) -> (i32, i32) {
    %c0_i32 = arith.constant 0 : i32
    %c0_i32_0 = arith.constant 0 : i32
    return %arg0, %c0_i32 : i32, i32
  }
}

module attributes {stable_mosaic.version = 14 : i64} {
  func.func @_pproj_body(%arg0: i32, %arg1: memref<1000x128xf32, #tpu.memory_space<vmem>>, %arg2: memref<1000x128xf32, #tpu.memory_space<vmem>>, %arg3: memref<128x512xf32, #tpu.memory_space<vmem>>, %arg4: memref<128x512xf32, #tpu.memory_space<vmem>>, %arg5: memref<512x128xf32, #tpu.memory_space<vmem>>, %arg6: memref<1000x128xf32, #tpu.memory_space<vmem>>) attributes {dimension_semantics = [#tpu.dimension_semantics<arbitrary>], iteration_bounds = array<i64: 10>, scalar_prefetch = 0 : i64, scratch_operands = 0 : i64, tpu.core_type = #tpu.core_type<tc>, window_params = [{transform_indices = @transform_0, window_bounds = array<i64: 1000, 128>}, {transform_indices = @transform_1, window_bounds = array<i64: 1000, 128>}, {pipeline_mode = #tpu.pipeline_mode<synchronous>, transform_indices = @transform_2, window_bounds = array<i64: 128, 512>}, {pipeline_mode = #tpu.pipeline_mode<synchronous>, transform_indices = @transform_3, window_bounds = array<i64: 128, 512>}, {pipeline_mode = #tpu.pipeline_mode<synchronous>, transform_indices = @transform_4, window_bounds = array<i64: 512, 128>}, {transform_indices = @transform_5, window_bounds = array<i64: 1000, 128>}]} {
    %get3A = arith.constant 0 : index
    %get3A_0 = arith.constant 0 : index
    %get3A_1 = vector.load %arg3[%get3A, %get3A_0] : memref<128x512xf32, #tpu.memory_space<vmem>>, vector<128x512xf32>
    %get3A_2 = arith.constant 0 : index
    %get3A_3 = arith.constant 0 : index
    %get3A_4 = vector.load %arg5[%get3A_2, %get3A_3] : memref<512x128xf32, #tpu.memory_space<vmem>>, vector<512x128xf32>
    %dot_general3A = arith.constant dense<0.000000e+00> : vector<128x128xf32>
    %dot_general3A_5 = tpu.matmul %get3A_1, %get3A_4, %dot_general3A {dimension_numbers = #tpu.dot_dimension_numbers<[1], [0], [0], [1], [0, 0, 1, 1], [], []>, transpose_lhs_hint = false} : vector<128x512xf32>, vector<512x128xf32>, vector<128x128xf32> -> vector<128x128xf32>
    %get3A_6 = arith.constant 0 : index
    %get3A_7 = arith.constant 0 : index
    %get3A_8 = vector.load %arg4[%get3A_6, %get3A_7] : memref<128x512xf32, #tpu.memory_space<vmem>>, vector<128x512xf32>
    %get3A_9 = arith.constant 0 : index
    %get3A_10 = arith.constant 0 : index
    %get3A_11 = vector.load %arg5[%get3A_9, %get3A_10] : memref<512x128xf32, #tpu.memory_space<vmem>>, vector<512x128xf32>
    %dot_general3A_12 = arith.constant dense<0.000000e+00> : vector<128x128xf32>
    %dot_general3A_13 = tpu.matmul %get3A_8, %get3A_11, %dot_general3A_12 {dimension_numbers = #tpu.dot_dimension_numbers<[1], [0], [0], [1], [0, 0, 1, 1], [], []>, transpose_lhs_hint = false} : vector<128x512xf32>, vector<512x128xf32>, vector<128x128xf32> -> vector<128x128xf32>
    %get3A_14 = arith.constant 0 : index
    %get3A_15 = arith.constant 0 : index
    %get3A_16 = vector.load %arg1[%get3A_14, %get3A_15] : memref<1000x128xf32, #tpu.memory_space<vmem>>, vector<1000x128xf32>
    %dot_general3A_17 = arith.constant dense<0.000000e+00> : vector<1000x128xf32>
    %dot_general3A_18 = tpu.matmul %get3A_16, %dot_general3A_5, %dot_general3A_17 {dimension_numbers = #tpu.dot_dimension_numbers<[1], [0], [0], [1], [0, 0, 1, 1], [], []>, transpose_lhs_hint = false} : vector<1000x128xf32>, vector<128x128xf32>, vector<1000x128xf32> -> vector<1000x128xf32>
    %get3A_19 = arith.constant 0 : index
    %get3A_20 = arith.constant 0 : index
    %get3A_21 = vector.load %arg2[%get3A_19, %get3A_20] : memref<1000x128xf32, #tpu.memory_space<vmem>>, vector<1000x128xf32>
    %dot_general3A_22 = arith.constant dense<0.000000e+00> : vector<1000x128xf32>
    %dot_general3A_23 = tpu.matmul %get3A_21, %dot_general3A_13, %dot_general3A_22 {dimension_numbers = #tpu.dot_dimension_numbers<[1], [0], [0], [1], [0, 0, 1, 1], [], []>, transpose_lhs_hint = false} : vector<1000x128xf32>, vector<128x128xf32>, vector<1000x128xf32> -> vector<1000x128xf32>
    %add3A = arith.addf %dot_general3A_18, %dot_general3A_23 : vector<1000x128xf32>
    %swap3A = arith.constant 0 : index
    %swap3A_24 = arith.constant 0 : index
    %swap3A_25 = vector.load %arg6[%swap3A, %swap3A_24] : memref<1000x128xf32, #tpu.memory_space<vmem>>, vector<1000x128xf32>
    tpu.vector_store %arg6[%swap3A, %swap3A_24], %add3A {strides = array<i32>} : memref<1000x128xf32, #tpu.memory_space<vmem>>, vector<1000x128xf32>,
    return
  }
  func.func @transform_0(%arg0: i32) -> (i32, i32) {
    %c0_i32 = arith.constant 0 : i32
    %c0_i32_0 = arith.constant 0 : i32
    return %arg0, %c0_i32 : i32, i32
  }
  func.func @transform_1(%arg0: i32) -> (i32, i32) {
    %c0_i32 = arith.constant 0 : i32
    %c0_i32_0 = arith.constant 0 : i32
    return %arg0, %c0_i32 : i32, i32
  }
  func.func @transform_2(%arg0: i32) -> (i32, i32) {
    %c0_i32 = arith.constant 0 : i32
    %c0_i32_0 = arith.constant 0 : i32
    %c0_i32_1 = arith.constant 0 : i32
    return %c0_i32, %c0_i32_0 : i32, i32
  }
  func.func @transform_3(%arg0: i32) -> (i32, i32) {
    %c0_i32 = arith.constant 0 : i32
    %c0_i32_0 = arith.constant 0 : i32
    %c0_i32_1 = arith.constant 0 : i32
    return %c0_i32, %c0_i32_0 : i32, i32
  }
  func.func @transform_4(%arg0: i32) -> (i32, i32) {
    %c0_i32 = arith.constant 0 : i32
    %c0_i32_0 = arith.constant 0 : i32
    %c0_i32_1 = arith.constant 0 : i32
    return %c0_i32, %c0_i32_0 : i32, i32
  }
  func.func @transform_5(%arg0: i32) -> (i32, i32) {
    %c0_i32 = arith.constant 0 : i32
    %c0_i32_0 = arith.constant 0 : i32
    return %arg0, %c0_i32 : i32, i32
  }
}

module attributes {stable_mosaic.version = 14 : i64} {
  func.func @_norm_body(%arg0: memref<32x10000xf32, #tpu.memory_space<vmem>>, %arg1: memref<1x10000xf32, #tpu.memory_space<vmem>>) attributes {dimension_semantics = [], scalar_prefetch = 0 : i64, scratch_operands = 0 : i64, tpu.core_type = #tpu.core_type<tc>} {
    %get3A = arith.constant 0 : index
    %get3A_0 = arith.constant 0 : index
    %get3A_1 = vector.load %arg0[%get3A, %get3A_0] : memref<32x10000xf32, #tpu.memory_space<vmem>>, vector<32x10000xf32>
    %reduce_sum3A = arith.constant dense<0.000000e+00> : vector<10000xf32>
    %reduce_sum3A_2 = vector.multi_reduction <add>, %get3A_1, %reduce_sum3A [0] : vector<32x10000xf32> to vector<10000xf32>
    %broadcast_in_dim3A = vector.shape_cast %reduce_sum3A_2 : vector<10000xf32> to vector<1x10000xf32>
    %add3A = arith.constant 1.000000e+00 : f32
    %add3A_3 = vector.broadcast %add3A : f32 to vector<1x10000xf32>
    %add3A_4 = arith.addf %broadcast_in_dim3A, %add3A_3 : vector<1x10000xf32>
    %rsqrt3A = math.rsqrt %add3A_4 : vector<1x10000xf32>
    %swap3A = arith.constant 0 : index
    %swap3A_5 = arith.constant 0 : index
    %swap3A_6 = vector.load %arg1[%swap3A, %swap3A_5] : memref<1x10000xf32, #tpu.memory_space<vmem>>, vector<1x10000xf32>
    tpu.vector_store %arg1[%swap3A, %swap3A_5], %rsqrt3A {strides = array<i32>} : memref<1x10000xf32, #tpu.memory_space<vmem>>, vector<1x10000xf32>,
    return
  }
}

module attributes {stable_mosaic.version = 14 : i64} {
  func.func @_mid_body(%arg0: memref<32x10000xf32, #tpu.memory_space<vmem>>, %arg1: memref<32x10000xf32, #tpu.memory_space<vmem>>, %arg2: memref<32x10000xf32, #tpu.memory_space<vmem>>, %arg3: memref<1x10000xf32, #tpu.memory_space<vmem>>, %arg4: memref<1x10000xf32, #tpu.memory_space<vmem>>, %arg5: memref<1x10000xf32, #tpu.memory_space<vmem>>, %arg6: memref<1x10000xf32, #tpu.memory_space<vmem>>, %arg7: memref<1x10000xf32, #tpu.memory_space<vmem>>, %arg8: memref<1x10000xf32, #tpu.memory_space<vmem>>) attributes {dimension_semantics = [], scalar_prefetch = 0 : i64, scratch_operands = 0 : i64, tpu.core_type = #tpu.core_type<tc>} {
    %get3A = arith.constant 0 : index
    %get3A_0 = arith.constant 0 : index
    %get3A_1 = vector.load %arg3[%get3A, %get3A_0] : memref<1x10000xf32, #tpu.memory_space<vmem>>, vector<1x10000xf32>
    %mul3A = arith.mulf %get3A_1, %get3A_1 : vector<1x10000xf32>
    %get3A_2 = arith.constant 0 : index
    %get3A_3 = arith.constant 0 : index
    %get3A_4 = vector.load %arg0[%get3A_2, %get3A_3] : memref<32x10000xf32, #tpu.memory_space<vmem>>, vector<32x10000xf32>
    %reduce_sum3A = arith.constant dense<0.000000e+00> : vector<10000xf32>
    %reduce_sum3A_5 = vector.multi_reduction <add>, %get3A_4, %reduce_sum3A [0] : vector<32x10000xf32> to vector<10000xf32>
    %broadcast_in_dim3A = vector.shape_cast %reduce_sum3A_5 : vector<10000xf32> to vector<1x10000xf32>
    %mul3A_6 = arith.mulf %broadcast_in_dim3A, %get3A_1 : vector<1x10000xf32>
    %get3A_7 = arith.constant 0 : index
    %get3A_8 = arith.constant 0 : index
    %get3A_9 = vector.load %arg4[%get3A_7, %get3A_8] : memref<1x10000xf32, #tpu.memory_space<vmem>>, vector<1x10000xf32>
    %mul3A_10 = arith.mulf %get3A_9, %mul3A : vector<1x10000xf32>
    %add3A = arith.addf %mul3A_6, %mul3A_10 : vector<1x10000xf32>
    %swap3A = arith.constant 0 : index
    %swap3A_11 = arith.constant 0 : index
    %swap3A_12 = vector.load %arg6[%swap3A, %swap3A_11] : memref<1x10000xf32, #tpu.memory_space<vmem>>, vector<1x10000xf32>
    tpu.vector_store %arg6[%swap3A, %swap3A_11], %add3A {strides = array<i32>} : memref<1x10000xf32, #tpu.memory_space<vmem>>, vector<1x10000xf32>,
    %get3A_13 = arith.constant 0 : index
    %get3A_14 = arith.constant 0 : index
    %get3A_15 = vector.load %arg1[%get3A_13, %get3A_14] : memref<32x10000xf32, #tpu.memory_space<vmem>>, vector<32x10000xf32>
    %reduce_sum3A_16 = arith.constant dense<0.000000e+00> : vector<10000xf32>
    %reduce_sum3A_17 = vector.multi_reduction <add>, %get3A_15, %reduce_sum3A_16 [0] : vector<32x10000xf32> to vector<10000xf32>
    %broadcast_in_dim3A_18 = vector.shape_cast %reduce_sum3A_17 : vector<10000xf32> to vector<1x10000xf32>
    %mul3A_19 = arith.mulf %broadcast_in_dim3A_18, %get3A_1 : vector<1x10000xf32>
    %get3A_20 = arith.constant 0 : index
    %get3A_21 = arith.constant 0 : index
    %get3A_22 = vector.load %arg5[%get3A_20, %get3A_21] : memref<1x10000xf32, #tpu.memory_space<vmem>>, vector<1x10000xf32>
    %mul3A_23 = arith.mulf %get3A_22, %mul3A : vector<1x10000xf32>
    %add3A_24 = arith.addf %mul3A_19, %mul3A_23 : vector<1x10000xf32>
    %swap3A_25 = arith.constant 0 : index
    %swap3A_26 = arith.constant 0 : index
    %swap3A_27 = vector.load %arg7[%swap3A_25, %swap3A_26] : memref<1x10000xf32, #tpu.memory_space<vmem>>, vector<1x10000xf32>
    tpu.vector_store %arg7[%swap3A_25, %swap3A_26], %add3A_24 {strides = array<i32>} : memref<1x10000xf32, #tpu.memory_space<vmem>>, vector<1x10000xf32>,
    %get3A_28 = arith.constant 0 : index
    %get3A_29 = arith.constant 0 : index
    %get3A_30 = vector.load %arg2[%get3A_28, %get3A_29] : memref<32x10000xf32, #tpu.memory_space<vmem>>, vector<32x10000xf32>
    %reduce_sum3A_31 = arith.constant dense<0.000000e+00> : vector<10000xf32>
    %reduce_sum3A_32 = vector.multi_reduction <add>, %get3A_30, %reduce_sum3A_31 [0] : vector<32x10000xf32> to vector<10000xf32>
    %broadcast_in_dim3A_33 = vector.shape_cast %reduce_sum3A_32 : vector<10000xf32> to vector<1x10000xf32>
    %mul3A_34 = arith.mulf %broadcast_in_dim3A_33, %get3A_1 : vector<1x10000xf32>
    %add3A_35 = arith.addf %mul3A_34, %mul3A : vector<1x10000xf32>
    %swap3A_36 = arith.constant 0 : index
    %swap3A_37 = arith.constant 0 : index
    %swap3A_38 = vector.load %arg8[%swap3A_36, %swap3A_37] : memref<1x10000xf32, #tpu.memory_space<vmem>>, vector<1x10000xf32>
    tpu.vector_store %arg8[%swap3A_36, %swap3A_37], %add3A_35 {strides = array<i32>} : memref<1x10000xf32, #tpu.memory_space<vmem>>, vector<1x10000xf32>,
    return
  }
}

module attributes {stable_mosaic.version = 14 : i64} {
  func.func @_final_body(%arg0: memref<32x10000xf32, #tpu.memory_space<vmem>>, %arg1: memref<32x10000xf32, #tpu.memory_space<vmem>>, %arg2: memref<1x10000xf32, #tpu.memory_space<vmem>>, %arg3: memref<1x10000xf32, #tpu.memory_space<vmem>>, %arg4: memref<1x10000xf32, #tpu.memory_space<vmem>>, %arg5: memref<1x10000xf32, #tpu.memory_space<vmem>>, %arg6: memref<1x512xf32, #tpu.memory_space<vmem>>, %arg7: memref<512x128xf32, #tpu.memory_space<vmem>>, %arg8: memref<1x128xf32, #tpu.memory_space<vmem>>, %arg9: memref<1x10000xf32, #tpu.memory_space<vmem>>, %arg10: memref<1x10000xf32, #tpu.memory_space<vmem>>) attributes {dimension_semantics = [], scalar_prefetch = 0 : i64, scratch_operands = 0 : i64, tpu.core_type = #tpu.core_type<tc>} {
    %get3A = arith.constant 0 : index
    %get3A_0 = arith.constant 0 : index
    %get3A_1 = vector.load %arg2[%get3A, %get3A_0] : memref<1x10000xf32, #tpu.memory_space<vmem>>, vector<1x10000xf32>
    %mul3A = arith.mulf %get3A_1, %get3A_1 : vector<1x10000xf32>
    %get3A_2 = arith.constant 0 : index
    %get3A_3 = arith.constant 0 : index
    %get3A_4 = vector.load %arg6[%get3A_2, %get3A_3] : memref<1x512xf32, #tpu.memory_space<vmem>>, vector<1x512xf32>
    %get3A_5 = arith.constant 0 : index
    %get3A_6 = arith.constant 0 : index
    %get3A_7 = vector.load %arg7[%get3A_5, %get3A_6] : memref<512x128xf32, #tpu.memory_space<vmem>>, vector<512x128xf32>
    %dot_general3A = arith.constant dense<0.000000e+00> : vector<1x128xf32>
    %dot_general3A_8 = tpu.matmul %get3A_4, %get3A_7, %dot_general3A {dimension_numbers = #tpu.dot_dimension_numbers<[1], [0], [0], [1], [0, 0, 1, 1], [], []>, transpose_lhs_hint = false} : vector<1x512xf32>, vector<512x128xf32>, vector<1x128xf32> -> vector<1x128xf32>
    %slice3A = vector.extract_strided_slice %dot_general3A_8 {offsets = [0, 0], sizes = [1, 1], strides = [1, 1]} : vector<1x128xf32> to vector<1x1xf32>
    %slice3A_9 = vector.extract_strided_slice %dot_general3A_8 {offsets = [0, 1], sizes = [1, 1], strides = [1, 1]} : vector<1x128xf32> to vector<1x1xf32>
    %get3A_10 = arith.constant 0 : index
    %get3A_11 = arith.constant 0 : index
    %get3A_12 = vector.load %arg8[%get3A_10, %get3A_11] : memref<1x128xf32, #tpu.memory_space<vmem>>, vector<1x1xf32>
    %get3A_13 = arith.constant 0 : index
    %get3A_14 = arith.constant 1 : index
    %get3A_15 = vector.load %arg8[%get3A_13, %get3A_14] : memref<1x128xf32, #tpu.memory_space<vmem>>, vector<1x1xf32>
    %get3A_16 = arith.constant 0 : index
    %get3A_17 = arith.constant 0 : index
    %get3A_18 = vector.load %arg5[%get3A_16, %get3A_17] : memref<1x10000xf32, #tpu.memory_space<vmem>>, vector<1x10000xf32>
    %get3A_19 = arith.constant 0 : index
    %get3A_20 = arith.constant 0 : index
    %get3A_21 = vector.load %arg0[%get3A_19, %get3A_20] : memref<32x10000xf32, #tpu.memory_space<vmem>>, vector<32x10000xf32>
    %reduce_sum3A = arith.constant dense<0.000000e+00> : vector<10000xf32>
    %reduce_sum3A_22 = vector.multi_reduction <add>, %get3A_21, %reduce_sum3A [0] : vector<32x10000xf32> to vector<10000xf32>
    %broadcast_in_dim3A = vector.shape_cast %reduce_sum3A_22 : vector<10000xf32> to vector<1x10000xf32>
    %mul3A_23 = arith.mulf %broadcast_in_dim3A, %get3A_1 : vector<1x10000xf32>
    %get3A_24 = arith.constant 0 : index
    %get3A_25 = arith.constant 0 : index
    %get3A_26 = vector.load %arg3[%get3A_24, %get3A_25] : memref<1x10000xf32, #tpu.memory_space<vmem>>, vector<1x10000xf32>
    %mul3A_27 = arith.mulf %get3A_26, %mul3A : vector<1x10000xf32>
    %add3A = arith.addf %mul3A_23, %mul3A_27 : vector<1x10000xf32>
    %mul3A_28 = vector.broadcast %slice3A : vector<1x1xf32> to vector<1x10000xf32>
    %mul3A_29 = arith.mulf %get3A_18, %mul3A_28 : vector<1x10000xf32>
    %add3A_30 = arith.addf %add3A, %mul3A_29 : vector<1x10000xf32>
    %add3A_31 = vector.broadcast %get3A_12 : vector<1x1xf32> to vector<1x10000xf32>
    %add3A_32 = arith.addf %add3A_30, %add3A_31 : vector<1x10000xf32>
    %get3A_33 = arith.constant 0 : index
    %get3A_34 = arith.constant 0 : index
    %get3A_35 = vector.load %arg1[%get3A_33, %get3A_34] : memref<32x10000xf32, #tpu.memory_space<vmem>>, vector<32x10000xf32>
    %reduce_sum3A_36 = arith.constant dense<0.000000e+00> : vector<10000xf32>
    %reduce_sum3A_37 = vector.multi_reduction <add>, %get3A_35, %reduce_sum3A_36 [0] : vector<32x10000xf32> to vector<10000xf32>
    %broadcast_in_dim3A_38 = vector.shape_cast %reduce_sum3A_37 : vector<10000xf32> to vector<1x10000xf32>
    %mul3A_39 = arith.mulf %broadcast_in_dim3A_38, %get3A_1 : vector<1x10000xf32>
    %get3A_40 = arith.constant 0 : index
    %get3A_41 = arith.constant 0 : index
    %get3A_42 = vector.load %arg4[%get3A_40, %get3A_41] : memref<1x10000xf32, #tpu.memory_space<vmem>>, vector<1x10000xf32>
    %mul3A_43 = arith.mulf %get3A_42, %mul3A : vector<1x10000xf32>
    %add3A_44 = arith.addf %mul3A_39, %mul3A_43 : vector<1x10000xf32>
    %mul3A_45 = vector.broadcast %slice3A_9 : vector<1x1xf32> to vector<1x10000xf32>
    %mul3A_46 = arith.mulf %get3A_18, %mul3A_45 : vector<1x10000xf32>
    %add3A_47 = arith.addf %add3A_44, %mul3A_46 : vector<1x10000xf32>
    %add3A_48 = vector.broadcast %get3A_15 : vector<1x1xf32> to vector<1x10000xf32>
    %add3A_49 = arith.addf %add3A_47, %add3A_48 : vector<1x10000xf32>
    %max3A = arith.maximumf %add3A_32, %add3A_49 : vector<1x10000xf32>
    %sub3A = arith.subf %add3A_32, %max3A : vector<1x10000xf32>
    %exp3A = math.exp %sub3A : vector<1x10000xf32>
    %sub3A_50 = arith.subf %add3A_49, %max3A : vector<1x10000xf32>
    %exp3A_51 = math.exp %sub3A_50 : vector<1x10000xf32>
    %add3A_52 = arith.addf %exp3A, %exp3A_51 : vector<1x10000xf32>
    %log3A = math.log %add3A_52 : vector<1x10000xf32>
    %add3A_53 = arith.addf %max3A, %log3A : vector<1x10000xf32>
    %sub3A_54 = arith.subf %add3A_32, %add3A_53 : vector<1x10000xf32>
    %swap3A = arith.constant 0 : index
    %swap3A_55 = arith.constant 0 : index
    %swap3A_56 = vector.load %arg9[%swap3A, %swap3A_55] : memref<1x10000xf32, #tpu.memory_space<vmem>>, vector<1x10000xf32>
    tpu.vector_store %arg9[%swap3A, %swap3A_55], %sub3A_54 {strides = array<i32>} : memref<1x10000xf32, #tpu.memory_space<vmem>>, vector<1x10000xf32>,
    %sub3A_57 = arith.subf %add3A_49, %add3A_53 : vector<1x10000xf32>
    %swap3A_58 = arith.constant 0 : index
    %swap3A_59 = arith.constant 0 : index
    %swap3A_60 = vector.load %arg10[%swap3A_58, %swap3A_59] : memref<1x10000xf32, #tpu.memory_space<vmem>>, vector<1x10000xf32>
    tpu.vector_store %arg10[%swap3A_58, %swap3A_59], %sub3A_57 {strides = array<i32>} : memref<1x10000xf32, #tpu.memory_space<vmem>>, vector<1x10000xf32>,
    return
  }
}

</mosaic_0001>

<sc_bundles>
// kernel: kernel.13.cloned.1.call-start
scs
__scs_entry_jumppad:
0x0: {  	(pc) =	sbr.rel $0x88, $3  }
0x1: {  	(tag) =	ssettag $0x0;
	lr =	simm.s32 $0x1  }
0x2: {  	[smem:$0x3F8B] =	sst lr;
	_ =	strace $0xD0000000  }
0x3: {  	_ = 	snop  }
0x4: {  	_ = 	snop  }
0x5: {  	_ = 	snop  }
0x6: {  	_ = 	snop  }
0x7: {  	_ = 	snop  }
__scs_overlays_trampoline_lowered:
0x8: {  	[smem:$0x3F9A] =	sst s0  }
0x9: {  	[smem:$0x3F9B] =	sst s1  }
0xa: {  	[smem:$0x3F9C] =	sst s2  }
0xb: {  	[smem:$0x3F9D] =	sst s3  }
0xc: {  	[smem:$0x3F9E] =	sst s4  }
0xd: {  	[smem:$0x3F9F] =	sst s5  }
0xe: {  	[smem:$0x3FA0] =	sst s6  }
0xf: {  	[smem:$0x3FA1] =	sst s7  }
0x10: {  	[smem:$0x3FA2] =	sst s8  }
0x11: {  	[smem:$0x3FA3] =	sst s9;
	s0 =	simm.s32 @!p0 $0x0  }
0x12: {  	s1 =	sld [smem:$0x3F89];
	s0 =	simm.s32 @p0 $0x1  }
0x13: {  	[smem:$0x3FA4] =	sst s0;
	s0 =	simm.s32 @!p1 $0x0  }
0x14: {  	s2 =	sld [smem:$0x3F88];
	s0 =	simm.s32 @p1 $0x1  }
0x15: {  	[smem:$0x3FA5] =	sst s0;
	s0 =	simm.s32 @!p2 $0x0  }
0x16: {  	s3 =	sld [smem:$0x3FDB];
	s0 =	simm.s32 @p2 $0x1  }
0x17: {  	s4 =	simm.s32 $0x1BF5;
	[smem:$0x3FA7] =	sst s0  }
0x18: {  	s0 =	sld [smem:$0x3F8A];
	_ =	swait.ge [sflag:s4], $0x0  }
0x19: {  	s7 =	sld [smem:$0x3F8B]  }
0x1a: {  	s8 =	sadd.s32 $0xFFFFE003, lr  }
0x1b: {  	s9 =	sadd.s32 $0xFFFFFEF7, lr;
	s5 =	simm.s32 $0xFFFFFFFF;
	p2 =	slt.u32 s8, $0xFFFFF086  }
0x1c: {  	p1 =	slt.u32 s9, $0xF7A;
	s5 =	simm.s32 @!p2 $0x0  }
0x1d: {  	s5 =	simm.s32 @p1 $0x1;
	p0 =	seq.s32 s7, s2  }
0x1e: {  	s7 =	smul.u32 @!p0 $0xF7A, s2;
	p2 =	seq.s32 @!p0 s5, $0x0  }
0x1f: {  	s9 =	smul.u32 $0xF7A, s1;
	s8 =	simm.s32 @!p0 $0x1BF5;
	p2 =	por !p2, p0  }
0x20: {  	[sflag:s8] =	ssyncset.s32 @!p0 $0xFFFFF086;
	s6 =	sadd.s32 @!p0 s3, s7;
	s7 =	simm.s32 @!p0 $0x108  }
0x21: {  	s3 =	sadd.s32 s3, s9;
	s6 =	sadd.s32 @!p0 $0x88, s6;
	s7 =	simm.s32 @p2 $0x1082  }
0x22: {  	[simem:s7], [sflag:s8] =	dma.local @!p0 [hbm:s6], $0xF7A  }
0x23: {  	s9 =	sor.u32 $0xD0000000, s2;
	s6 =	simm.s32 $0x108;
	_ =	swait.ge @!p0 [sflag:s8], $0x0  }
0x24: {  	s3 =	sadd.s32 $0x88, s3;
	s6 =	simm.s32 @!p1 $0x1082;
	[sflag:s4] =	ssyncset.s32 $0xFFFFF086  }
0x25: {  	[simem:s6], [sflag:s4] =	dma.local [hbm:s3], $0xF7A  }
0x26: {  	[smem:$0x3F8B] =	sst s1;
	(tag) =	ssettag s2;
	_ =	strace s9  }
0x27: {  	s1 =	sld [smem:$0x3F9B]  }
0x28: {  	s2 =	sld [smem:$0x3F9C]  }
0x29: {  	s4 =	sld [smem:$0x3F9E]  }
0x2a: {  	p0 =	seq.s32 s5, $0x0;
	s5 =	sld [smem:$0x3F9F]  }
0x2b: {  	s6 =	sld [smem:$0x3FA0]  }
0x2c: {  	s7 =	sld [smem:$0x3FA1]  }
0x2d: {  	s3 =	simm.s32 $0x108;
	s8 =	sld [smem:$0x3FA2]  }
0x2e: {  	s3 =	simm.s32 @!p0 $0x1082;
	s9 =	sld [smem:$0x3FA3]  }
0x2f: {  	lr =	sadd.s32 s0, s3;
	s0 =	sld [smem:$0x3F9A]  }
0x30: {  	s3 =	sld [smem:$0x3F9D]  }
0x31: {  	[smem:$0x3FA6] =	sst s10  }
0x32: {  	s10 =	sld [smem:$0x3FA4];
	_ =	sdelay $0x3  }
0x33: {  	p0 =	seq.s32 s10, $0x1;
	s10 =	sld [smem:$0x3FA6];
	_ =	sdelay $0x3  }
0x34: {  	[smem:$0x3FA6] =	sst s10  }
0x35: {  	s10 =	sld [smem:$0x3FA5];
	_ =	sdelay $0x3  }
0x36: {  	p1 =	seq.s32 s10, $0x1;
	s10 =	sld [smem:$0x3FA6];
	_ =	sdelay $0x3  }
0x37: {  	[smem:$0x3FA6] =	sst s10  }
0x38: {  	s10 =	sld [smem:$0x3FA7]  }
0x39: {  	_ = 	snop;
	(pc) =	sbr.ind lr, $3  }
0x3a: {  	_ = 	snop  }
0x3b: {  	_ = 	snop  }
0x3c: {  	p2 =	seq.s32 s10, $0x1;
	s10 =	sld [smem:$0x3FA6]  }
0x3d: {  	_ =	shalt  }
0x3e: {  	_ =	shalt  }
0x3f: {  	_ =	shalt  }
0x40: {  	_ =	shalt  }
0x41: {  	_ =	shalt  }
0x42: {  	_ =	shalt  }
0x43: {  	_ =	shalt  }
0x44: {  	_ =	shalt  }
0x45: {  	_ =	shalt  }
0x46: {  	_ =	shalt  }
0x47: {  	_ =	shalt  }
0x48: {  	_ =	shalt  }
0x49: {  	_ =	shalt  }
0x4a: {  	_ =	shalt  }
0x4b: {  	_ =	shalt  }
0x4c: {  	_ =	shalt  }
0x4d: {  	_ =	shalt  }
0x4e: {  	_ =	shalt  }
0x4f: {  	_ =	shalt  }
0x50: {  	_ =	shalt  }
0x51: {  	_ =	shalt  }
0x52: {  	_ =	shalt  }
0x53: {  	_ =	shalt  }
0x54: {  	_ =	shalt  }
0x55: {  	_ =	shalt  }
0x56: {  	_ =	shalt  }
0x57: {  	_ =	shalt  }
0x58: {  	_ =	shalt  }
0x59: {  	_ =	shalt  }
0x5a: {  	_ =	shalt  }
0x5b: {  	_ =	shalt  }
0x5c: {  	_ =	shalt  }
0x5d: {  	_ =	shalt  }
0x5e: {  	_ =	shalt  }
0x5f: {  	_ =	shalt  }
0x60: {  	_ =	shalt  }
0x61: {  	_ =	shalt  }
0x62: {  	_ =	shalt  }
0x63: {  	_ =	shalt  }
0x64: {  	_ =	shalt  }
0x65: {  	_ =	shalt  }
0x66: {  	_ =	shalt  }
0x67: {  	_ =	shalt  }
0x68: {  	_ =	shalt  }
0x69: {  	_ =	shalt  }
0x6a: {  	_ =	shalt  }
0x6b: {  	_ =	shalt  }
0x6c: {  	_ =	shalt  }
0x6d: {  	_ =	shalt  }
0x6e: {  	_ =	shalt  }
0x6f: {  	_ =	shalt  }
0x70: {  	_ =	shalt  }
0x71: {  	_ =	shalt  }
0x72: {  	_ =	shalt  }
0x73: {  	_ =	shalt  }
0x74: {  	_ =	shalt  }
0x75: {  	_ =	shalt  }
0x76: {  	_ =	shalt  }
0x77: {  	_ =	shalt  }
0x78: {  	_ =	shalt  }
0x79: {  	_ =	shalt  }
0x7a: {  	_ =	shalt  }
0x7b: {  	_ =	shalt  }
0x7c: {  	_ =	shalt  }
0x7d: {  	_ =	shalt  }
0x7e: {  	_ =	shalt  }
0x7f: {  	_ =	shalt  }
0x80: {  	_ =	shalt  }
0x81: {  	_ =	shalt  }
0x82: {  	_ =	shalt  }
0x83: {  	_ =	shalt  }
0x84: {  	_ =	shalt  }
0x85: {  	_ =	shalt  }
0x86: {  	_ =	shalt  }
0x87: {  	_ =	shalt  }
.Lfunc_end0:
.L_simem_size_0:
called_computation_lowered:
.L_overlay_start_0:
0x88: {  	s2 =	sld [smem:$0x3FD9]  }
0x89: {  	s3 =	sld [smem:$0x3FFE];
	_ =	sdelay $0x1  }
0x8a: {  	s1 =	srdreg.scid  }
0x8b: {  	s0 =	sand.u32 $0x1, s1  }
0x8c: {  	s16 =	sshll.u32 s0, $0xA;
	s2 =	sadd.s32 s3, s2  }
0x8d: {  	s2 =	sadd.s32 s2, s16  }
0x8e: {  	[smem:$0x3FB2] =	sst s2  }
0x8f: {  	_ = 	snop  }
0x90: {  	(tm) =	ssettm $0x1  }
0x91: {  	s17 =	sld [smem:$0x3FFB];
	_ =	sdelay $0x3  }
0x92: {  	_ =	strace s17  }
0x93: {  	s2 =	sld [smem:$0x3FFC];
	_ =	sdelay $0x3  }
0x94: {  	_ =	strace s2  }
0x95: {  	s2 =	sld [smem:$0x3FFD];
	_ =	sdelay $0x3  }
0x96: {  	_ =	strace s2  }
0x97: {  	_ =	strace $0x8FFFFFFF  }
0x98: {  	s18 =	sld [smem:$0x3FDB];
	_ =	sdelay $0x1  }
0x99: {  	s19 =	simm.s32 $_scs_section_size  }
0x9a: {  	s4 =	simm.s32 $_size__tile_overlayer_lowered;
	s5 =	simm.s32 $_tile_overlayer_lowered  }
0x9b: {  	s22 =	simm.s32 $0x1BFF;
	s21 =	sshll.u32 s5, $0x1;
	s2 =	sadd.s32 s19, s18  }
0x9c: {  	s6 =	simm.s32 $0x0;
	s20 =	sshll.u32 s4, $0x1;
	s4 =	sadd.s32 s21, s2  }
0x9d: {  	[timem:s6], [sflag:s22] =	dma.local [hbm:s4], s20  }
0x9e: {  	_ =	swait.ge [sflag:s22], s20  }
0x9f: {  	s3 =	ssub.s32 $0x0, s20;
	[sflag:s22] =	ssyncset.done $0x0  }
0xa0: {  	[sflag:s22] =	ssyncadd.s32 s3;
	_ =	sdelay $0x1  }
0xa1: {  	s23 =	simm.s32 $0x1B8B  }
0xa2: {  	_ =	swait.ge [sflag:s23], $0x1  }
0xa3: {  	[sflag:s23] =	ssyncset.done $0x0  }
0xa4: {  	s25 =	simm.s32 $0x1B8E;
	s24 =	sld [smem:$0x3FFE];
	[sflag:s23] =	ssyncadd.s32 $0xFFFFFFFF  }
0xa5: {  	s26 =	simm.s32 $execute0_lowered;
	[smem:$0x3FD2] =	sst s25  }
0xa6: {  	s4 =	sshll.u32 s26, $0x1;
	_ =	strace $0x80000046;
	[dreg:$0x1] =	wrdreg $0xFFFFFFFF  }
0xa7: {  	s28 =	simm.s32 $_size_execute0_lowered;
	s2 =	sadd.s32 s2, s4;
	[dreg:$0x0] =	wrdreg $0x0  }
0xa8: {  	s4 =	sshll.u32 s28, $0x1;
	[dreg:$0x2] =	wrdreg s2  }
0xa9: {  	[dreg:$0x3] =	wrdreg s4  }
0xaa: {  	[dreg:$0x4] =	wrdreg $0xC0  }
0xab: {  	_ =	task [dreg:s6], $0x5FFFF  }
0xac: {  	[dreg:$0x1] =	wrdreg $0xFFFFFFFF  }
0xad: {  	[dreg:$0x0] =	wrdreg $0x60  }
0xae: {  	[dreg:$0x2] =	wrdreg s24  }
0xaf: {  	[dreg:$0x3] =	wrdreg $0x9  }
0xb0: {  	_ =	task.clear_ibuf [dreg:s6], $0x4FFFF;
	_ =	strace $0x90000046  }
0xb1: {  	s29 =	simm.s32 $0x9;
	_ =	strace $0x80000048  }
0xb2: {  	_ =	swait.ge [sflag:s29], $0x1  }
0xb3: {  	[sflag:s29] =	ssyncadd.s32 $0xFFFFFFFF  }
0xb4: {  	_ =	strace $0x90000048  }
0xb5: {  	_ =	sfence  }
0xb6: {  	s30 =	sld [smem:$0x0];
	_ =	sdelay $0x2  }
0xb7: {  	s31 =	sshll.u32 s1, $0xD;
	s1 =	sshrl.u32 s1, $0x2  }
0xb8: {  	s3 =	sand.u32 $0x4000, s31;
	s1 =	sadd.s32 s1, s30  }
0xb9: {  	s0 =	sor.u32 s3, s0;
	s1 =	sshll.u32 s1, $0x11  }
0xba: {  	s0 =	sor.u32 s1, s0  }
0xbb: {  	s0 =	sadd.s32 $0x8F2B, s0  }
0xbc: {  	[sflag:s0] =	ssyncadd.remote.s32 $0x1  }
0xbd: {  	_ =	sfence.sel $0xFFFF  }
0xbe: {  	[dreg:$0x0] =	wrdreg $0xFFFFFFFF;
	(pc) =	sbr.abs _section_cstart, $3  }
0xbf: {  	[dreg:$0x1] =	wrdreg $0xFFFFFFFF  }
0xc0: {  	_ =	task.clear_ibuf [dreg:s6], $0x2FFFF;
	_ =	strace $0x9FFFFFFF  }
0xc1: {  	(tm) =	ssettm $0x7FFFFFFF  }
tec
execute0_lowered:
.L_overlay_start_1:
0x0: {  	(tag) =	ssettag $0x1  }
0x1: {  	s1 =	srdreg.scid  }
0x2: {  	s0 =	stileid.u32;
	s5 =	rddreg [dreg:$0x0]  }
0x3: {  	s2 =	simm.s32 $0x0;
	s8 =	simm.s32 $0x80;
	s9 =	simm.s32 $0x400  }
0x4: {  	s10 =	simm.s32 $0x0;
	s3 =	sand.u32 $0x1, s1;
	s29 =	sshll.u32 s0, $0x1  }
0x5: {  	s30 =	sshrl.u32 s0, $0x2;
	s1 =	rddreg [dreg:$0x1];
	s4 =	sor.u32 s3, s29  }
0x6: {  	[smem:$0x7FF] =	sst s2;
	s6 =	smul.u32 $0x13C00, s30;
	s7 =	sshll.u32 s4, $0x7  }
0x7: {  	s3 =	ssub.s32 $0x2, s3;
	s4 =	smul.u32 $0x4E2, s4;
	s7 =	sand.u32 $0x380, s7  }
0x8: {  	_ =	strace $0x80000047;
	s31 =	sshrl.u32 s3, $0x1;
	s6 =	sor.u32 s6, s7  }
0x9: {  	s4 =	sadd.s32 s4, s5;
	s7 =	simm.s32 $0x2780;
	s6 =	sshrl.u32 s6, $0x3  }
0xa: {  	s5 =	sadd.s32 s6, s5;
	s6 =	ssub.s32 s3, s31;
	s3 =	sadd.s32 $0x4000, s4  }
0xb: {  	v0 =	vimm.f32 $0.0e+00;
	v1 =	vimm.f32 $1.000000000e+00;
	s4 =	sadd.s32 $0x17C00, s5;
	s5 =	smax.u32 s6, $0x1;
	s6 =	simm.s32 $0x1  }
.LBB2_1:
0xc: {  	[tilespmem:s2], [sflag:$0x1] =	stream.linear.gather [hbm4b:s3+s2], $0x2710, $0x38;
	[tilespmem:$0x4F00] =	vst v63  }
0xd: {  	_ =	swait.ge [sflag:s6], $0x2710  }
0xe: {  	[sflag:s6] =	ssyncset.done $0x0  }
0xf: {  	s11 =	simm.s32 $0x0;
	[sflag:s6] =	ssyncadd.s32 $0xFFFFD8F0  }
.LBB2_2:
0x10: {  	p0 =	sne.s32 s11, $0x9C00  }
.Ltmp0:
0x11: {  	_ = 	snop;
	(pc) =	sbr.rel @p0 .LBB2_2-.Ltmp0, $3  }
0x12: {  	_ =	sdelay $0x1  }
0x13: {  	s12 =	sshra.s32 s11, $0x2  }
0x14: {  	s11 =	sadd.s32 $0x40, s11;
	[tilespmem:s12+$0x2780] =	vst v0  }
0x15: {  	s12 =	simm.s32 $0x0;
	s11 =	simm.s32 $0x40  }
.LBB2_4:
0x16: {  	p0 =	sne.s32 s11, $0x9C00;
	v2 =	vld [tilespmem:s12+$0x0];
	_ =	sdelay $0x3  }
.Ltmp1:
0x17: {  	(pc) =	sbr.rel @p0 .LBB2_4-.Ltmp1, $2  }
0x18: {  	_ =	sdelay $0x2  }
0x19: {  	s12 =	sshra.s32 s11, $0x2;
	s11 =	sadd.s32 $0x40, s11;
	[tilespmem:v2+s7+$0x0] =	vst.idx.add.f32.msk $0xffff, v1  }
0x1a: {  	v2 =	vld [tilespmem:s12+$0x0];
	_ =	sdelay $0x5  }
0x1b: {  	s10 =	sadd.s32 $0x1, s10  }
0x1c: {  	p0 =	sne.s32 s10, s5  }
.Ltmp2:
0x1d: {  	[tilespmem:v2+s7+$0x0] =	vst.idx.add.f32.msk $0xffff, v1;
	(pc) =	sbr.rel @p0 .LBB2_1-.Ltmp2, $4  }
0x1e: {  	[hbm4b:s4+s8] =	stream.strided.scatter [tilespmem:s7], [sflag:$0x1], $0x2780, s9, s8, $0x38;
	[tilespmem:$0x4F00] =	vst v63  }
0x1f: {  	_ =	swait.ge [sflag:s6], $0x2780  }
0x20: {  	[sflag:s6] =	ssyncset.done $0x0  }
0x21: {  	[sflag:s6] =	ssyncadd.s32 $0xFFFFD880  }
0x22: {  	_ =	sfence.sel $0x180000  }
0x23: {  	[bflag:$0x0] =	sbarrier.arrive $0xFFFF  }
0x24: {  	p0 =	sne.s32 s0, $0x0;
	_ =	strace $0x90000047  }
0x25: {  	s0 =	sadd.s32 @!p0 $0x100000, s1;
	[bflag:$0x2] =	sbarrier.arrive $0xFFFF  }
0x26: {  	[sflag:s0] =	ssyncadd.tile.s32 @!p0 $0x1;
	_ =	shalt  }
.Lfunc_end2:
_tile_overlayer_lowered:
.L_overlay_start_2:
0x27: {  	(tag) =	ssettag $0x2  }
0x28: {  	s0 =	rddreg [dreg:$0x0];
	s2 =	stileid.u32  }
0x29: {  	s1 =	rddreg [dreg:$0x1];
	p0 =	sne.s32 s2, $0x0  }
0x2a: {  	s3 =	rddreg [dreg:$0x2];
	[bflag:$0x3] =	sbarrier.arrive $0xFFFF;
	s2 =	simm.s32 @!p0 $0x1C01  }
0x2b: {  	[timem:s3], [sflag:s2] =	dma.local @!p0 [hbm:s0], s1  }
0x2c: {  	s0 =	simm.s32 @!p0 $0x1  }
0x2d: {  	_ =	swait.ge @!p0 [sflag:s0], s1  }
0x2e: {  	s1 =	ssub.s32 @!p0 $0x0, s1;
	[sflag:s0] =	ssyncset.done @!p0 $0x0  }
0x2f: {  	[sflag:s0] =	ssyncadd.s32 @!p0 s1  }
0x30: {  	[bflag:$0x3] =	sbarrier.arrive $0xFFFF  }
0x31: {  	_ =	shalt  }

// kernel: kernel.16.cloned.1.call-start
scs
__scs_entry_jumppad:
0x0: {  	(pc) =	sbr.rel $0x88, $3  }
0x1: {  	(tag) =	ssettag $0x0;
	lr =	simm.s32 $0x1  }
0x2: {  	[smem:$0x3F8B] =	sst lr;
	_ =	strace $0xD0000000  }
0x3: {  	_ = 	snop  }
0x4: {  	_ = 	snop  }
0x5: {  	_ = 	snop  }
0x6: {  	_ = 	snop  }
0x7: {  	_ = 	snop  }
__scs_overlays_trampoline_lowered:
0x8: {  	[smem:$0x3F9A] =	sst s0  }
0x9: {  	[smem:$0x3F9B] =	sst s1  }
0xa: {  	[smem:$0x3F9C] =	sst s2  }
0xb: {  	[smem:$0x3F9D] =	sst s3  }
0xc: {  	[smem:$0x3F9E] =	sst s4  }
0xd: {  	[smem:$0x3F9F] =	sst s5  }
0xe: {  	[smem:$0x3FA0] =	sst s6  }
0xf: {  	[smem:$0x3FA1] =	sst s7  }
0x10: {  	[smem:$0x3FA2] =	sst s8  }
0x11: {  	[smem:$0x3FA3] =	sst s9;
	s0 =	simm.s32 @!p0 $0x0  }
0x12: {  	s1 =	sld [smem:$0x3F89];
	s0 =	simm.s32 @p0 $0x1  }
0x13: {  	[smem:$0x3FA4] =	sst s0;
	s0 =	simm.s32 @!p1 $0x0  }
0x14: {  	s2 =	sld [smem:$0x3F88];
	s0 =	simm.s32 @p1 $0x1  }
0x15: {  	[smem:$0x3FA5] =	sst s0;
	s0 =	simm.s32 @!p2 $0x0  }
0x16: {  	s3 =	sld [smem:$0x3FDB];
	s0 =	simm.s32 @p2 $0x1  }
0x17: {  	s4 =	simm.s32 $0x1BF5;
	[smem:$0x3FA7] =	sst s0  }
0x18: {  	s0 =	sld [smem:$0x3F8A];
	_ =	swait.ge [sflag:s4], $0x0  }
0x19: {  	s7 =	sld [smem:$0x3F8B]  }
0x1a: {  	s8 =	sadd.s32 $0xFFFFE003, lr  }
0x1b: {  	s9 =	sadd.s32 $0xFFFFFEF7, lr;
	s5 =	simm.s32 $0xFFFFFFFF;
	p2 =	slt.u32 s8, $0xFFFFF086  }
0x1c: {  	p1 =	slt.u32 s9, $0xF7A;
	s5 =	simm.s32 @!p2 $0x0  }
0x1d: {  	s5 =	simm.s32 @p1 $0x1;
	p0 =	seq.s32 s7, s2  }
0x1e: {  	s7 =	smul.u32 @!p0 $0xF7A, s2;
	p2 =	seq.s32 @!p0 s5, $0x0  }
0x1f: {  	s9 =	smul.u32 $0xF7A, s1;
	s8 =	simm.s32 @!p0 $0x1BF5;
	p2 =	por !p2, p0  }
0x20: {  	[sflag:s8] =	ssyncset.s32 @!p0 $0xFFFFF086;
	s6 =	sadd.s32 @!p0 s3, s7;
	s7 =	simm.s32 @!p0 $0x108  }
0x21: {  	s3 =	sadd.s32 s3, s9;
	s6 =	sadd.s32 @!p0 $0x88, s6;
	s7 =	simm.s32 @p2 $0x1082  }
0x22: {  	[simem:s7], [sflag:s8] =	dma.local @!p0 [hbm:s6], $0xF7A  }
0x23: {  	s9 =	sor.u32 $0xD0000000, s2;
	s6 =	simm.s32 $0x108;
	_ =	swait.ge @!p0 [sflag:s8], $0x0  }
0x24: {  	s3 =	sadd.s32 $0x88, s3;
	s6 =	simm.s32 @!p1 $0x1082;
	[sflag:s4] =	ssyncset.s32 $0xFFFFF086  }
0x25: {  	[simem:s6], [sflag:s4] =	dma.local [hbm:s3], $0xF7A  }
0x26: {  	[smem:$0x3F8B] =	sst s1;
	(tag) =	ssettag s2;
	_ =	strace s9  }
0x27: {  	s1 =	sld [smem:$0x3F9B]  }
0x28: {  	s2 =	sld [smem:$0x3F9C]  }
0x29: {  	s4 =	sld [smem:$0x3F9E]  }
0x2a: {  	p0 =	seq.s32 s5, $0x0;
	s5 =	sld [smem:$0x3F9F]  }
0x2b: {  	s6 =	sld [smem:$0x3FA0]  }
0x2c: {  	s7 =	sld [smem:$0x3FA1]  }
0x2d: {  	s3 =	simm.s32 $0x108;
	s8 =	sld [smem:$0x3FA2]  }
0x2e: {  	s3 =	simm.s32 @!p0 $0x1082;
	s9 =	sld [smem:$0x3FA3]  }
0x2f: {  	lr =	sadd.s32 s0, s3;
	s0 =	sld [smem:$0x3F9A]  }
0x30: {  	s3 =	sld [smem:$0x3F9D]  }
0x31: {  	[smem:$0x3FA6] =	sst s10  }
0x32: {  	s10 =	sld [smem:$0x3FA4];
	_ =	sdelay $0x3  }
0x33: {  	p0 =	seq.s32 s10, $0x1;
	s10 =	sld [smem:$0x3FA6];
	_ =	sdelay $0x3  }
0x34: {  	[smem:$0x3FA6] =	sst s10  }
0x35: {  	s10 =	sld [smem:$0x3FA5];
	_ =	sdelay $0x3  }
0x36: {  	p1 =	seq.s32 s10, $0x1;
	s10 =	sld [smem:$0x3FA6];
	_ =	sdelay $0x3  }
0x37: {  	[smem:$0x3FA6] =	sst s10  }
0x38: {  	s10 =	sld [smem:$0x3FA7]  }
0x39: {  	_ = 	snop;
	(pc) =	sbr.ind lr, $3  }
0x3a: {  	_ = 	snop  }
0x3b: {  	_ = 	snop  }
0x3c: {  	p2 =	seq.s32 s10, $0x1;
	s10 =	sld [smem:$0x3FA6]  }
0x3d: {  	_ =	shalt  }
0x3e: {  	_ =	shalt  }
0x3f: {  	_ =	shalt  }
0x40: {  	_ =	shalt  }
0x41: {  	_ =	shalt  }
0x42: {  	_ =	shalt  }
0x43: {  	_ =	shalt  }
0x44: {  	_ =	shalt  }
0x45: {  	_ =	shalt  }
0x46: {  	_ =	shalt  }
0x47: {  	_ =	shalt  }
0x48: {  	_ =	shalt  }
0x49: {  	_ =	shalt  }
0x4a: {  	_ =	shalt  }
0x4b: {  	_ =	shalt  }
0x4c: {  	_ =	shalt  }
0x4d: {  	_ =	shalt  }
0x4e: {  	_ =	shalt  }
0x4f: {  	_ =	shalt  }
0x50: {  	_ =	shalt  }
0x51: {  	_ =	shalt  }
0x52: {  	_ =	shalt  }
0x53: {  	_ =	shalt  }
0x54: {  	_ =	shalt  }
0x55: {  	_ =	shalt  }
0x56: {  	_ =	shalt  }
0x57: {  	_ =	shalt  }
0x58: {  	_ =	shalt  }
0x59: {  	_ =	shalt  }
0x5a: {  	_ =	shalt  }
0x5b: {  	_ =	shalt  }
0x5c: {  	_ =	shalt  }
0x5d: {  	_ =	shalt  }
0x5e: {  	_ =	shalt  }
0x5f: {  	_ =	shalt  }
0x60: {  	_ =	shalt  }
0x61: {  	_ =	shalt  }
0x62: {  	_ =	shalt  }
0x63: {  	_ =	shalt  }
0x64: {  	_ =	shalt  }
0x65: {  	_ =	shalt  }
0x66: {  	_ =	shalt  }
0x67: {  	_ =	shalt  }
0x68: {  	_ =	shalt  }
0x69: {  	_ =	shalt  }
0x6a: {  	_ =	shalt  }
0x6b: {  	_ =	shalt  }
0x6c: {  	_ =	shalt  }
0x6d: {  	_ =	shalt  }
0x6e: {  	_ =	shalt  }
0x6f: {  	_ =	shalt  }
0x70: {  	_ =	shalt  }
0x71: {  	_ =	shalt  }
0x72: {  	_ =	shalt  }
0x73: {  	_ =	shalt  }
0x74: {  	_ =	shalt  }
0x75: {  	_ =	shalt  }
0x76: {  	_ =	shalt  }
0x77: {  	_ =	shalt  }
0x78: {  	_ =	shalt  }
0x79: {  	_ =	shalt  }
0x7a: {  	_ =	shalt  }
0x7b: {  	_ =	shalt  }
0x7c: {  	_ =	shalt  }
0x7d: {  	_ =	shalt  }
0x7e: {  	_ =	shalt  }
0x7f: {  	_ =	shalt  }
0x80: {  	_ =	shalt  }
0x81: {  	_ =	shalt  }
0x82: {  	_ =	shalt  }
0x83: {  	_ =	shalt  }
0x84: {  	_ =	shalt  }
0x85: {  	_ =	shalt  }
0x86: {  	_ =	shalt  }
0x87: {  	_ =	shalt  }
.Lfunc_end0:
.L_simem_size_0:
called_computation.1_lowered:
.L_overlay_start_0:
0x88: {  	s2 =	sld [smem:$0x3FD9]  }
0x89: {  	s3 =	sld [smem:$0x3FFE];
	_ =	sdelay $0x1  }
0x8a: {  	s1 =	srdreg.scid  }
0x8b: {  	s0 =	sand.u32 $0x1, s1  }
0x8c: {  	s17 =	sshll.u32 s0, $0xA;
	s2 =	sadd.s32 s3, s2  }
0x8d: {  	s2 =	sadd.s32 s2, s17  }
0x8e: {  	[smem:$0x3FB2] =	sst s2  }
0x8f: {  	_ = 	snop  }
0x90: {  	s2 =	sld [smem:$0x3FD0];
	(tm) =	ssettm $0x1  }
0x91: {  	s18 =	sld [smem:$0x3FFB];
	_ =	sdelay $0x3  }
0x92: {  	_ =	strace s18  }
0x93: {  	s3 =	sld [smem:$0x3FFC];
	_ =	sdelay $0x3  }
0x94: {  	_ =	strace s3  }
0x95: {  	s3 =	sld [smem:$0x3FFD];
	_ =	sdelay $0x3  }
0x96: {  	_ =	strace s3  }
0x97: {  	_ =	strace $0x8FFFFFFF  }
0x98: {  	s19 =	sld [smem:$0x3FDB];
	_ =	sdelay $0x1  }
0x99: {  	s4 =	simm.s32 $_scs_section_size  }
0x9a: {  	s5 =	simm.s32 $_size__tile_overlayer_lowered;
	s6 =	simm.s32 $_tile_overlayer_lowered  }
0x9b: {  	s22 =	simm.s32 $0x1BFF;
	s21 =	sshll.u32 s6, $0x1;
	s3 =	sadd.s32 s4, s19  }
0x9c: {  	s7 =	simm.s32 $0x0;
	s20 =	sshll.u32 s5, $0x1;
	s5 =	sadd.s32 s21, s3  }
0x9d: {  	[timem:s7], [sflag:s22] =	dma.local [hbm:s5], s20  }
0x9e: {  	_ =	swait.ge [sflag:s22], s20  }
0x9f: {  	s4 =	ssub.s32 $0x0, s20;
	[sflag:s22] =	ssyncset.done $0x0  }
0xa0: {  	[sflag:s22] =	ssyncadd.s32 s4;
	_ =	sdelay $0x1  }
0xa1: {  	s23 =	simm.s32 $0x1B8B  }
0xa2: {  	_ =	swait.ge [sflag:s23], $0x1  }
0xa3: {  	[sflag:s23] =	ssyncset.done $0x0  }
0xa4: {  	s25 =	simm.s32 $0x1B8E;
	s24 =	sld [smem:$0x3FFE];
	[sflag:s23] =	ssyncadd.s32 $0xFFFFFFFF  }
0xa5: {  	s26 =	simm.s32 $execute0_lowered;
	[smem:$0x3FD2] =	sst s25  }
0xa6: {  	s5 =	sshll.u32 s26, $0x1;
	_ =	strace $0x80000049;
	[dreg:$0x1] =	wrdreg $0xFFFFFFFF  }
0xa7: {  	s28 =	simm.s32 $_size_execute0_lowered;
	s3 =	sadd.s32 s3, s5;
	[dreg:$0x0] =	wrdreg $0x0  }
0xa8: {  	s5 =	sshll.u32 s28, $0x1;
	[dreg:$0x2] =	wrdreg s3  }
0xa9: {  	[dreg:$0x3] =	wrdreg s5  }
0xaa: {  	[dreg:$0x4] =	wrdreg $0xC0  }
0xab: {  	_ =	task [dreg:s7], $0x5FFFF  }
0xac: {  	[dreg:$0x1] =	wrdreg $0xFFFFFFFF  }
0xad: {  	[dreg:$0x0] =	wrdreg $0x60  }
0xae: {  	[dreg:$0x2] =	wrdreg s24  }
0xaf: {  	[dreg:$0x3] =	wrdreg s2  }
0xb0: {  	[dreg:$0x4] =	wrdreg $0x9  }
0xb1: {  	_ =	task.clear_ibuf [dreg:s7], $0x5FFFF;
	_ =	strace $0x90000049  }
0xb2: {  	s29 =	simm.s32 $0x9;
	_ =	strace $0x8000004B  }
0xb3: {  	_ =	swait.ge [sflag:s29], $0x1  }
0xb4: {  	[sflag:s29] =	ssyncadd.s32 $0xFFFFFFFF  }
0xb5: {  	_ =	strace $0x9000004B  }
0xb6: {  	_ =	sfence  }
0xb7: {  	s30 =	sld [smem:$0x0];
	_ =	sdelay $0x2  }
0xb8: {  	s31 =	sshll.u32 s1, $0xD;
	s1 =	sshrl.u32 s1, $0x2  }
0xb9: {  	s3 =	sand.u32 $0x4000, s31;
	s1 =	sadd.s32 s1, s30  }
0xba: {  	s0 =	sor.u32 s3, s0;
	s1 =	sshll.u32 s1, $0x11  }
0xbb: {  	s0 =	sor.u32 s1, s0  }
0xbc: {  	s0 =	sadd.s32 $0x8F2B, s0  }
0xbd: {  	[sflag:s0] =	ssyncadd.remote.s32 $0x1  }
0xbe: {  	_ =	sfence.sel $0xFFFF  }
0xbf: {  	[dreg:$0x0] =	wrdreg $0xFFFFFFFF;
	(pc) =	sbr.abs _section_cstart, $3  }
0xc0: {  	[dreg:$0x1] =	wrdreg $0xFFFFFFFF  }
0xc1: {  	_ =	task.clear_ibuf [dreg:s7], $0x2FFFF;
	_ =	strace $0x9FFFFFFF  }
0xc2: {  	(tm) =	ssettm $0x7FFFFFFF  }
0xc3: {  	_ =	shalt  }
tec
execute0_lowered:
.L_overlay_start_1:
0x0: {  	(tag) =	ssettag $0x1  }
0x1: {  	s1 =	srdreg.scid  }
0x2: {  	s0 =	stileid.u32;
	s6 =	rddreg [dreg:$0x0]  }
0x3: {  	s2 =	rddreg [dreg:$0x1];
	s3 =	simm.s32 $0x0;
	s12 =	simm.s32 $0x1  }
0x4: {  	s13 =	simm.s32 $0x2780;
	s14 =	simm.s32 $0x4F00;
	s15 =	simm.s32 $0x7680  }
0x5: {  	s16 =	simm.s32 $0x9E00;
	s17 =	simm.s32 $0xC580;
	s18 =	simm.s32 $0xED00  }
0x6: {  	s19 =	simm.s32 $0x11480;
	s20 =	simm.s32 $0x80;
	s21 =	simm.s32 $0x400  }
0x7: {  	s22 =	simm.s32 $0x0;
	s5 =	sand.u32 $0x1, s1;
	s1 =	rddreg [dreg:$0x2]  }
0x8: {  	s30 =	sshll.u32 s0, $0x1;
	s8 =	sshrl.u32 s0, $0x2;
	[smem:$0x7FF] =	sst s3  }
0x9: {  	s4 =	sor.u32 s5, s30;
	s8 =	smul.u32 $0x13C00, s8;
	_ =	strace $0x8000004A  }
0xa: {  	s9 =	ssub.s32 $0x2, s5;
	s7 =	smul.u32 $0x4E2, s4;
	s4 =	sshll.u32 s4, $0x7  }
0xb: {  	s5 =	sadd.s32 $0x17C00, s6;
	s31 =	sshrl.u32 s9, $0x1;
	s4 =	sand.u32 $0x380, s4  }
0xc: {  	s11 =	ssub.s32 s9, s31;
	s7 =	sadd.s32 s7, s6;
	s8 =	sor.u32 s8, s4  }
0xd: {  	s4 =	sadd.s32 $0x21A00, s6;
	s11 =	smax.u32 s11, $0x1;
	s8 =	sshrl.u32 s8, $0x3  }
0xe: {  	s10 =	sadd.s32 s8, s6;
	s6 =	sadd.s32 $0xDE00, s7;
	s7 =	sadd.s32 $0x4000, s7  }
0xf: {  	v0 =	vimm.f32 $0.0e+00;
	s8 =	sadd.s32 $0x22000, s10;
	s9 =	sadd.s32 $0x2BE00, s10;
	s10 =	sadd.s32 $0x35C00, s10  }
.LBB2_1:
0x10: {  	[tilespmem:s3], [sflag:$0x1] =	stream.linear.gather [hbm4b:s6+s3], $0x2710, $0x38;
	[tilespmem:$0x13C00] =	vst v63  }
0x11: {  	_ =	swait.ge [sflag:s12], $0x2710  }
0x12: {  	[sflag:s12] =	ssyncset.done $0x0  }
0x13: {  	[sflag:s12] =	ssyncadd.s32 $0xFFFFD8F0  }
0x14: {  	[tilespmem:s13], [sflag:$0x1] =	stream.linear.gather [hbm4b:s7+s3], $0x2710, $0x38;
	[tilespmem:$0x13C00] =	vst v63  }
0x15: {  	_ =	swait.ge [sflag:s12], $0x2710  }
0x16: {  	[sflag:s12] =	ssyncset.done $0x0  }
0x17: {  	[sflag:s12] =	ssyncadd.s32 $0xFFFFD8F0  }
0x18: {  	[tilespmem:s14], [sflag:$0x1] =	stream.linear.gather [hbm4b:s4+s3], $0x2780, $0x38;
	[tilespmem:$0x13C00] =	vst v63  }
0x19: {  	_ =	swait.ge [sflag:s12], $0x2780  }
0x1a: {  	[sflag:s12] =	ssyncset.done $0x0  }
0x1b: {  	[sflag:s12] =	ssyncadd.s32 $0xFFFFD880  }
0x1c: {  	[tilespmem:s15], [sflag:$0x1] =	stream.linear.gather [hbm4b:s2+s3], $0x2780, $0x38;
	[tilespmem:$0x13C00] =	vst v63  }
0x1d: {  	_ =	swait.ge [sflag:s12], $0x2780  }
0x1e: {  	[sflag:s12] =	ssyncset.done $0x0  }
0x1f: {  	[sflag:s12] =	ssyncadd.s32 $0xFFFFD880  }
0x20: {  	[tilespmem:s16], [sflag:$0x1] =	stream.linear.gather [hbm4b:s5+s3], $0x2780, $0x38;
	[tilespmem:$0x13C00] =	vst v63  }
0x21: {  	_ =	swait.ge [sflag:s12], $0x2780  }
0x22: {  	[sflag:s12] =	ssyncset.done $0x0  }
0x23: {  	s23 =	simm.s32 $0x40;
	s24 =	simm.s32 $0x0;
	[sflag:s12] =	ssyncadd.s32 $0xFFFFD880  }
.LBB2_2:
0x24: {  	p0 =	sne.s32 s23, $0x9C00;
	[tilespmem:s24+$0xC580] =	vst v0;
	s24 =	smov.u32 s23;
	s23 =	sadd.s32 $0x40, s23  }
.Ltmp0:
0x25: {  	(pc) =	sbr.rel @p0 .LBB2_2-.Ltmp0, $2  }
0x26: {  	_ =	sdelay $0x2  }
0x27: {  	s24 =	sshra.s32 s24, $0x2  }
0x28: {  	[tilespmem:s24+$0xC580] =	vst v0;
	s23 =	simm.s32 $0x0;
	s24 =	simm.s32 $0x40;
	s25 =	simm.s32 $0x0  }
.LBB2_4:
0x29: {  	p0 =	sne.s32 s24, $0x9C00;
	[tilespmem:s25+$0xED00] =	vst v0;
	s25 =	smov.u32 s24;
	s24 =	sadd.s32 $0x40, s24  }
.Ltmp1:
0x2a: {  	(pc) =	sbr.rel @p0 .LBB2_4-.Ltmp1, $2  }
0x2b: {  	_ =	sdelay $0x2  }
0x2c: {  	s25 =	sshra.s32 s25, $0x2  }
0x2d: {  	[tilespmem:s25+$0xED00] =	vst v0  }
.LBB2_6:
0x2e: {  	p0 =	sne.s32 s23, $0x9C00  }
.Ltmp2:
0x2f: {  	_ = 	snop;
	(pc) =	sbr.rel @p0 .LBB2_6-.Ltmp2, $3  }
0x30: {  	_ =	sdelay $0x1  }
0x31: {  	s24 =	sshra.s32 s23, $0x2  }
0x32: {  	s23 =	sadd.s32 $0x40, s23;
	[tilespmem:s24+$0x11480] =	vst v0  }
0x33: {  	s23 =	simm.s32 $0x0  }
0x34: {  	v2 =	vld [tilespmem:s23+$0x0]  }
0x35: {  	v1 =	vld [tilespmem:s23+$0x2780];
	s23 =	simm.s32 $0x40  }
.LBB2_8:
0x36: {  	p0 =	sne.s32 s23, $0x9C00;
	_ =	sdelay $0x5  }
0x37: {  	v3 =	vld.idx.msk [tilespmem:v2+s16+$0x0], $0xffff  }
0x38: {  	v4 =	vld.idx.msk [tilespmem:v2+s14+$0x0], $0xffff;
	_ =	sdelay $0x5  }
0x39: {  	v4 =	vmul.f32 v4, v3;
	_ =	sdelay $0x1  }
0x3a: {  	[tilespmem:v1+s17+$0x0] =	vst.idx.add.f32.msk $0xffff, v4  }
0x3b: {  	v2 =	vld.idx.msk [tilespmem:v2+s15+$0x0], $0xffff;
	_ =	sdelay $0x5  }
0x3c: {  	v2 =	vmul.f32 v2, v3  }
.Ltmp3:
0x3d: {  	(pc) =	sbr.rel @p0 .LBB2_8-.Ltmp3, $4  }
0x3e: {  	[tilespmem:v1+s18+$0x0] =	vst.idx.add.f32.msk $0xffff, v2  }
0x3f: {  	s24 =	sshra.s32 s23, $0x2;
	[tilespmem:v1+s19+$0x0] =	vst.idx.add.f32.msk $0xffff, v3  }
0x40: {  	v2 =	vld [tilespmem:s24+$0x0]  }
0x41: {  	s23 =	sadd.s32 $0x40, s23;
	v1 =	vld [tilespmem:s24+$0x2780]  }
0x42: {  	_ =	sdelay $0x6  }
0x43: {  	v3 =	vld.idx.msk [tilespmem:v2+s16+$0x0], $0xffff  }
0x44: {  	v4 =	vld.idx.msk [tilespmem:v2+s14+$0x0], $0xffff;
	_ =	sdelay $0x4  }
0x45: {  	v4 =	vmul.f32 v4, v3;
	_ =	sdelay $0x1  }
0x46: {  	[tilespmem:v1+s17+$0x0] =	vst.idx.add.f32.msk $0xffff, v4  }
0x47: {  	v2 =	vld.idx.msk [tilespmem:v2+s15+$0x0], $0xffff;
	_ =	sdelay $0x4  }
0x48: {  	v2 =	vmul.f32 v2, v3;
	_ =	sdelay $0x1  }
0x49: {  	[tilespmem:v1+s18+$0x0] =	vst.idx.add.f32.msk $0xffff, v2  }
0x4a: {  	[tilespmem:v1+s19+$0x0] =	vst.idx.add.f32.msk $0xffff, v3  }
0x4b: {  	[hbm4b:s8+s20] =	stream.strided.scatter [tilespmem:s17], [sflag:$0x1], $0x2780, s21, s20, $0x38;
	[tilespmem:$0x13C00] =	vst v63  }
0x4c: {  	_ =	swait.ge [sflag:s12], $0x2780  }
0x4d: {  	[sflag:s12] =	ssyncset.done $0x0  }
0x4e: {  	[sflag:s12] =	ssyncadd.s32 $0xFFFFD880  }
0x4f: {  	[hbm4b:s9+s20] =	stream.strided.scatter [tilespmem:s18], [sflag:$0x1], $0x2780, s21, s20, $0x38;
	[tilespmem:$0x13C00] =	vst v63  }
0x50: {  	s22 =	sadd.s32 $0x1, s22;
	_ =	swait.ge [sflag:s12], $0x2780  }
0x51: {  	p0 =	sne.s32 s22, s11;
	[sflag:s12] =	ssyncset.done $0x0  }
.Ltmp4:
0x52: {  	[sflag:s12] =	ssyncadd.s32 $0xFFFFD880;
	(pc) =	sbr.rel @p0 .LBB2_1-.Ltmp4, $4  }
0x53: {  	[hbm4b:s10+s20] =	stream.strided.scatter [tilespmem:s19], [sflag:$0x1], $0x2780, s21, s20, $0x38;
	[tilespmem:$0x13C00] =	vst v63  }
0x54: {  	_ =	swait.ge [sflag:s12], $0x2780  }
0x55: {  	[sflag:s12] =	ssyncset.done $0x0  }
0x56: {  	[sflag:s12] =	ssyncadd.s32 $0xFFFFD880  }
0x57: {  	_ =	sfence.sel $0x180000  }
0x58: {  	[bflag:$0x0] =	sbarrier.arrive $0xFFFF  }
0x59: {  	p0 =	sne.s32 s0, $0x0;
	_ =	strace $0x9000004A  }
0x5a: {  	s0 =	sadd.s32 @!p0 $0x100000, s1;
	[bflag:$0x2] =	sbarrier.arrive $0xFFFF  }
0x5b: {  	[sflag:s0] =	ssyncadd.tile.s32 @!p0 $0x1;
	_ =	shalt  }
.Lfunc_end2:
_tile_overlayer_lowered:
.L_overlay_start_2:
0x5c: {  	(tag) =	ssettag $0x2  }
0x5d: {  	s0 =	rddreg [dreg:$0x0];
	s2 =	stileid.u32  }
0x5e: {  	s1 =	rddreg [dreg:$0x1];
	p0 =	sne.s32 s2, $0x0  }
0x5f: {  	s3 =	rddreg [dreg:$0x2];
	[bflag:$0x3] =	sbarrier.arrive $0xFFFF;
	s2 =	simm.s32 @!p0 $0x1C01  }
0x60: {  	[timem:s3], [sflag:s2] =	dma.local @!p0 [hbm:s0], s1  }
0x61: {  	s0 =	simm.s32 @!p0 $0x1  }
0x62: {  	_ =	swait.ge @!p0 [sflag:s0], s1  }
0x63: {  	s1 =	ssub.s32 @!p0 $0x0, s1;
	[sflag:s0] =	ssyncset.done @!p0 $0x0  }
0x64: {  	[sflag:s0] =	ssyncadd.s32 @!p0 s1  }
0x65: {  	[bflag:$0x3] =	sbarrier.arrive $0xFFFF  }
0x66: {  	_ =	shalt  }

// kernel: kernel.19.cloned.1.call-start
scs
__scs_entry_jumppad:
0x0: {  	(pc) =	sbr.rel $0x88, $3  }
0x1: {  	(tag) =	ssettag $0x0;
	lr =	simm.s32 $0x1  }
0x2: {  	[smem:$0x3F8B] =	sst lr;
	_ =	strace $0xD0000000  }
0x3: {  	_ = 	snop  }
0x4: {  	_ = 	snop  }
0x5: {  	_ = 	snop  }
0x6: {  	_ = 	snop  }
0x7: {  	_ = 	snop  }
__scs_overlays_trampoline_lowered:
0x8: {  	[smem:$0x3F9A] =	sst s0  }
0x9: {  	[smem:$0x3F9B] =	sst s1  }
0xa: {  	[smem:$0x3F9C] =	sst s2  }
0xb: {  	[smem:$0x3F9D] =	sst s3  }
0xc: {  	[smem:$0x3F9E] =	sst s4  }
0xd: {  	[smem:$0x3F9F] =	sst s5  }
0xe: {  	[smem:$0x3FA0] =	sst s6  }
0xf: {  	[smem:$0x3FA1] =	sst s7  }
0x10: {  	[smem:$0x3FA2] =	sst s8  }
0x11: {  	[smem:$0x3FA3] =	sst s9;
	s0 =	simm.s32 @!p0 $0x0  }
0x12: {  	s1 =	sld [smem:$0x3F89];
	s0 =	simm.s32 @p0 $0x1  }
0x13: {  	[smem:$0x3FA4] =	sst s0;
	s0 =	simm.s32 @!p1 $0x0  }
0x14: {  	s2 =	sld [smem:$0x3F88];
	s0 =	simm.s32 @p1 $0x1  }
0x15: {  	[smem:$0x3FA5] =	sst s0;
	s0 =	simm.s32 @!p2 $0x0  }
0x16: {  	s3 =	sld [smem:$0x3FDB];
	s0 =	simm.s32 @p2 $0x1  }
0x17: {  	s4 =	simm.s32 $0x1BF5;
	[smem:$0x3FA7] =	sst s0  }
0x18: {  	s0 =	sld [smem:$0x3F8A];
	_ =	swait.ge [sflag:s4], $0x0  }
0x19: {  	s7 =	sld [smem:$0x3F8B]  }
0x1a: {  	s8 =	sadd.s32 $0xFFFFE003, lr  }
0x1b: {  	s9 =	sadd.s32 $0xFFFFFEF7, lr;
	s5 =	simm.s32 $0xFFFFFFFF;
	p2 =	slt.u32 s8, $0xFFFFF086  }
0x1c: {  	p1 =	slt.u32 s9, $0xF7A;
	s5 =	simm.s32 @!p2 $0x0  }
0x1d: {  	s5 =	simm.s32 @p1 $0x1;
	p0 =	seq.s32 s7, s2  }
0x1e: {  	s7 =	smul.u32 @!p0 $0xF7A, s2;
	p2 =	seq.s32 @!p0 s5, $0x0  }
0x1f: {  	s9 =	smul.u32 $0xF7A, s1;
	s8 =	simm.s32 @!p0 $0x1BF5;
	p2 =	por !p2, p0  }
0x20: {  	[sflag:s8] =	ssyncset.s32 @!p0 $0xFFFFF086;
	s6 =	sadd.s32 @!p0 s3, s7;
	s7 =	simm.s32 @!p0 $0x108  }
0x21: {  	s3 =	sadd.s32 s3, s9;
	s6 =	sadd.s32 @!p0 $0x88, s6;
	s7 =	simm.s32 @p2 $0x1082  }
0x22: {  	[simem:s7], [sflag:s8] =	dma.local @!p0 [hbm:s6], $0xF7A  }
0x23: {  	s9 =	sor.u32 $0xD0000000, s2;
	s6 =	simm.s32 $0x108;
	_ =	swait.ge @!p0 [sflag:s8], $0x0  }
0x24: {  	s3 =	sadd.s32 $0x88, s3;
	s6 =	simm.s32 @!p1 $0x1082;
	[sflag:s4] =	ssyncset.s32 $0xFFFFF086  }
0x25: {  	[simem:s6], [sflag:s4] =	dma.local [hbm:s3], $0xF7A  }
0x26: {  	[smem:$0x3F8B] =	sst s1;
	(tag) =	ssettag s2;
	_ =	strace s9  }
0x27: {  	s1 =	sld [smem:$0x3F9B]  }
0x28: {  	s2 =	sld [smem:$0x3F9C]  }
0x29: {  	s4 =	sld [smem:$0x3F9E]  }
0x2a: {  	p0 =	seq.s32 s5, $0x0;
	s5 =	sld [smem:$0x3F9F]  }
0x2b: {  	s6 =	sld [smem:$0x3FA0]  }
0x2c: {  	s7 =	sld [smem:$0x3FA1]  }
0x2d: {  	s3 =	simm.s32 $0x108;
	s8 =	sld [smem:$0x3FA2]  }
0x2e: {  	s3 =	simm.s32 @!p0 $0x1082;
	s9 =	sld [smem:$0x3FA3]  }
0x2f: {  	lr =	sadd.s32 s0, s3;
	s0 =	sld [smem:$0x3F9A]  }
0x30: {  	s3 =	sld [smem:$0x3F9D]  }
0x31: {  	[smem:$0x3FA6] =	sst s10  }
0x32: {  	s10 =	sld [smem:$0x3FA4];
	_ =	sdelay $0x3  }
0x33: {  	p0 =	seq.s32 s10, $0x1;
	s10 =	sld [smem:$0x3FA6];
	_ =	sdelay $0x3  }
0x34: {  	[smem:$0x3FA6] =	sst s10  }
0x35: {  	s10 =	sld [smem:$0x3FA5];
	_ =	sdelay $0x3  }
0x36: {  	p1 =	seq.s32 s10, $0x1;
	s10 =	sld [smem:$0x3FA6];
	_ =	sdelay $0x3  }
0x37: {  	[smem:$0x3FA6] =	sst s10  }
0x38: {  	s10 =	sld [smem:$0x3FA7]  }
0x39: {  	_ = 	snop;
	(pc) =	sbr.ind lr, $3  }
0x3a: {  	_ = 	snop  }
0x3b: {  	_ = 	snop  }
0x3c: {  	p2 =	seq.s32 s10, $0x1;
	s10 =	sld [smem:$0x3FA6]  }
0x3d: {  	_ =	shalt  }
0x3e: {  	_ =	shalt  }
0x3f: {  	_ =	shalt  }
0x40: {  	_ =	shalt  }
0x41: {  	_ =	shalt  }
0x42: {  	_ =	shalt  }
0x43: {  	_ =	shalt  }
0x44: {  	_ =	shalt  }
0x45: {  	_ =	shalt  }
0x46: {  	_ =	shalt  }
0x47: {  	_ =	shalt  }
0x48: {  	_ =	shalt  }
0x49: {  	_ =	shalt  }
0x4a: {  	_ =	shalt  }
0x4b: {  	_ =	shalt  }
0x4c: {  	_ =	shalt  }
0x4d: {  	_ =	shalt  }
0x4e: {  	_ =	shalt  }
0x4f: {  	_ =	shalt  }
0x50: {  	_ =	shalt  }
0x51: {  	_ =	shalt  }
0x52: {  	_ =	shalt  }
0x53: {  	_ =	shalt  }
0x54: {  	_ =	shalt  }
0x55: {  	_ =	shalt  }
0x56: {  	_ =	shalt  }
0x57: {  	_ =	shalt  }
0x58: {  	_ =	shalt  }
0x59: {  	_ =	shalt  }
0x5a: {  	_ =	shalt  }
0x5b: {  	_ =	shalt  }
0x5c: {  	_ =	shalt  }
0x5d: {  	_ =	shalt  }
0x5e: {  	_ =	shalt  }
0x5f: {  	_ =	shalt  }
0x60: {  	_ =	shalt  }
0x61: {  	_ =	shalt  }
0x62: {  	_ =	shalt  }
0x63: {  	_ =	shalt  }
0x64: {  	_ =	shalt  }
0x65: {  	_ =	shalt  }
0x66: {  	_ =	shalt  }
0x67: {  	_ =	shalt  }
0x68: {  	_ =	shalt  }
0x69: {  	_ =	shalt  }
0x6a: {  	_ =	shalt  }
0x6b: {  	_ =	shalt  }
0x6c: {  	_ =	shalt  }
0x6d: {  	_ =	shalt  }
0x6e: {  	_ =	shalt  }
0x6f: {  	_ =	shalt  }
0x70: {  	_ =	shalt  }
0x71: {  	_ =	shalt  }
0x72: {  	_ =	shalt  }
0x73: {  	_ =	shalt  }
0x74: {  	_ =	shalt  }
0x75: {  	_ =	shalt  }
0x76: {  	_ =	shalt  }
0x77: {  	_ =	shalt  }
0x78: {  	_ =	shalt  }
0x79: {  	_ =	shalt  }
0x7a: {  	_ =	shalt  }
0x7b: {  	_ =	shalt  }
0x7c: {  	_ =	shalt  }
0x7d: {  	_ =	shalt  }
0x7e: {  	_ =	shalt  }
0x7f: {  	_ =	shalt  }
0x80: {  	_ =	shalt  }
0x81: {  	_ =	shalt  }
0x82: {  	_ =	shalt  }
0x83: {  	_ =	shalt  }
0x84: {  	_ =	shalt  }
0x85: {  	_ =	shalt  }
0x86: {  	_ =	shalt  }
0x87: {  	_ =	shalt  }
.Lfunc_end0:
.L_simem_size_0:
called_computation.2_lowered:
.L_overlay_start_0:
0x88: {  	s2 =	sld [smem:$0x3FD9]  }
0x89: {  	s3 =	sld [smem:$0x3FFE];
	_ =	sdelay $0x1  }
0x8a: {  	s1 =	srdreg.scid  }
0x8b: {  	s0 =	sand.u32 $0x1, s1  }
0x8c: {  	s17 =	sshll.u32 s0, $0xA;
	s2 =	sadd.s32 s3, s2  }
0x8d: {  	s2 =	sadd.s32 s2, s17  }
0x8e: {  	[smem:$0x3FB2] =	sst s2  }
0x8f: {  	_ = 	snop  }
0x90: {  	s2 =	sld [smem:$0x3FD0];
	(tm) =	ssettm $0x1  }
0x91: {  	s18 =	sld [smem:$0x3FFB];
	_ =	sdelay $0x3  }
0x92: {  	_ =	strace s18  }
0x93: {  	s3 =	sld [smem:$0x3FFC];
	_ =	sdelay $0x3  }
0x94: {  	_ =	strace s3  }
0x95: {  	s3 =	sld [smem:$0x3FFD];
	_ =	sdelay $0x3  }
0x96: {  	_ =	strace s3  }
0x97: {  	_ =	strace $0x8FFFFFFF  }
0x98: {  	s19 =	sld [smem:$0x3FDB];
	_ =	sdelay $0x1  }
0x99: {  	s4 =	simm.s32 $_scs_section_size  }
0x9a: {  	s5 =	simm.s32 $_size__tile_overlayer_lowered;
	s6 =	simm.s32 $_tile_overlayer_lowered  }
0x9b: {  	s22 =	simm.s32 $0x1BFF;
	s21 =	sshll.u32 s6, $0x1;
	s3 =	sadd.s32 s4, s19  }
0x9c: {  	s7 =	simm.s32 $0x0;
	s20 =	sshll.u32 s5, $0x1;
	s5 =	sadd.s32 s21, s3  }
0x9d: {  	[timem:s7], [sflag:s22] =	dma.local [hbm:s5], s20  }
0x9e: {  	_ =	swait.ge [sflag:s22], s20  }
0x9f: {  	s4 =	ssub.s32 $0x0, s20;
	[sflag:s22] =	ssyncset.done $0x0  }
0xa0: {  	[sflag:s22] =	ssyncadd.s32 s4;
	_ =	sdelay $0x1  }
0xa1: {  	s23 =	simm.s32 $0x1B8B  }
0xa2: {  	_ =	swait.ge [sflag:s23], $0x1  }
0xa3: {  	[sflag:s23] =	ssyncset.done $0x0  }
0xa4: {  	s25 =	simm.s32 $0x1B8E;
	s24 =	sld [smem:$0x3FFE];
	[sflag:s23] =	ssyncadd.s32 $0xFFFFFFFF  }
0xa5: {  	s26 =	simm.s32 $execute0_lowered;
	[smem:$0x3FD2] =	sst s25  }
0xa6: {  	s5 =	sshll.u32 s26, $0x1;
	_ =	strace $0x8000004C;
	[dreg:$0x1] =	wrdreg $0xFFFFFFFF  }
0xa7: {  	s28 =	simm.s32 $_size_execute0_lowered;
	s3 =	sadd.s32 s3, s5;
	[dreg:$0x0] =	wrdreg $0x0  }
0xa8: {  	s5 =	sshll.u32 s28, $0x1;
	[dreg:$0x2] =	wrdreg s3  }
0xa9: {  	[dreg:$0x3] =	wrdreg s5  }
0xaa: {  	[dreg:$0x4] =	wrdreg $0xC0  }
0xab: {  	_ =	task [dreg:s7], $0x5FFFF  }
0xac: {  	[dreg:$0x1] =	wrdreg $0xFFFFFFFF  }
0xad: {  	[dreg:$0x0] =	wrdreg $0x60  }
0xae: {  	[dreg:$0x2] =	wrdreg s24  }
0xaf: {  	[dreg:$0x3] =	wrdreg s2  }
0xb0: {  	[dreg:$0x4] =	wrdreg $0x9  }
0xb1: {  	_ =	task.clear_ibuf [dreg:s7], $0x5FFFF;
	_ =	strace $0x9000004C  }
0xb2: {  	s29 =	simm.s32 $0x9;
	_ =	strace $0x8000004E  }
0xb3: {  	_ =	swait.ge [sflag:s29], $0x1  }
0xb4: {  	[sflag:s29] =	ssyncadd.s32 $0xFFFFFFFF  }
0xb5: {  	_ =	strace $0x9000004E  }
0xb6: {  	_ =	sfence  }
0xb7: {  	s30 =	sld [smem:$0x0];
	_ =	sdelay $0x2  }
0xb8: {  	s31 =	sshll.u32 s1, $0xD;
	s1 =	sshrl.u32 s1, $0x2  }
0xb9: {  	s3 =	sand.u32 $0x4000, s31;
	s1 =	sadd.s32 s1, s30  }
0xba: {  	s0 =	sor.u32 s3, s0;
	s1 =	sshll.u32 s1, $0x11  }
0xbb: {  	s0 =	sor.u32 s1, s0  }
0xbc: {  	s0 =	sadd.s32 $0x8F2B, s0  }
0xbd: {  	[sflag:s0] =	ssyncadd.remote.s32 $0x1  }
0xbe: {  	_ =	sfence.sel $0xFFFF  }
0xbf: {  	[dreg:$0x0] =	wrdreg $0xFFFFFFFF;
	(pc) =	sbr.abs _section_cstart, $3  }
0xc0: {  	[dreg:$0x1] =	wrdreg $0xFFFFFFFF  }
0xc1: {  	_ =	task.clear_ibuf [dreg:s7], $0x2FFFF;
	_ =	strace $0x9FFFFFFF  }
0xc2: {  	(tm) =	ssettm $0x7FFFFFFF  }
0xc3: {  	_ =	shalt  }
tec
execute0_lowered:
.L_overlay_start_1:
0x0: {  	(tag) =	ssettag $0x1  }
0x1: {  	s1 =	srdreg.scid  }
0x2: {  	s0 =	stileid.u32;
	s6 =	rddreg [dreg:$0x0]  }
0x3: {  	s2 =	rddreg [dreg:$0x1];
	s3 =	simm.s32 $0x0;
	s12 =	simm.s32 $0x1  }
0x4: {  	s13 =	simm.s32 $0x2780;
	s14 =	simm.s32 $0x4F00;
	s15 =	simm.s32 $0x7680  }
0x5: {  	s16 =	simm.s32 $0x9E00;
	s17 =	simm.s32 $0xC580;
	s18 =	simm.s32 $0xED00  }
0x6: {  	s19 =	simm.s32 $0x11480;
	s20 =	simm.s32 $0x80;
	s21 =	simm.s32 $0x400  }
0x7: {  	s22 =	simm.s32 $0x0;
	s5 =	sand.u32 $0x1, s1;
	s1 =	rddreg [dreg:$0x2]  }
0x8: {  	s30 =	sshll.u32 s0, $0x1;
	s8 =	sshrl.u32 s0, $0x2;
	[smem:$0x7FF] =	sst s3  }
0x9: {  	s4 =	sor.u32 s5, s30;
	s8 =	smul.u32 $0x13C00, s8;
	_ =	strace $0x8000004D  }
0xa: {  	s9 =	ssub.s32 $0x2, s5;
	s7 =	smul.u32 $0x4E2, s4;
	s4 =	sshll.u32 s4, $0x7  }
0xb: {  	s5 =	sadd.s32 $0x17C00, s6;
	s31 =	sshrl.u32 s9, $0x1;
	s4 =	sand.u32 $0x380, s4  }
0xc: {  	s11 =	ssub.s32 s9, s31;
	s7 =	sadd.s32 s7, s6;
	s8 =	sor.u32 s8, s4  }
0xd: {  	s4 =	sadd.s32 $0x18200, s6;
	s11 =	smax.u32 s11, $0x1;
	s8 =	sshrl.u32 s8, $0x3  }
0xe: {  	s10 =	sadd.s32 s8, s6;
	s6 =	sadd.s32 $0xDE00, s7;
	s7 =	sadd.s32 $0x4000, s7  }
0xf: {  	v0 =	vimm.f32 $0.0e+00;
	s8 =	sadd.s32 $0x22600, s10;
	s9 =	sadd.s32 $0x2C400, s10;
	s10 =	sadd.s32 $0x18800, s10  }
.LBB2_1:
0x10: {  	[tilespmem:s3], [sflag:$0x1] =	stream.linear.gather [hbm4b:s6+s3], $0x2710, $0x38;
	[tilespmem:$0x13C00] =	vst v63  }
0x11: {  	_ =	swait.ge [sflag:s12], $0x2710  }
0x12: {  	[sflag:s12] =	ssyncset.done $0x0  }
0x13: {  	[sflag:s12] =	ssyncadd.s32 $0xFFFFD8F0  }
0x14: {  	[tilespmem:s13], [sflag:$0x1] =	stream.linear.gather [hbm4b:s7+s3], $0x2710, $0x38;
	[tilespmem:$0x13C00] =	vst v63  }
0x15: {  	_ =	swait.ge [sflag:s12], $0x2710  }
0x16: {  	[sflag:s12] =	ssyncset.done $0x0  }
0x17: {  	[sflag:s12] =	ssyncadd.s32 $0xFFFFD8F0  }
0x18: {  	[tilespmem:s14], [sflag:$0x1] =	stream.linear.gather [hbm4b:s2+s3], $0x2780, $0x38;
	[tilespmem:$0x13C00] =	vst v63  }
0x19: {  	_ =	swait.ge [sflag:s12], $0x2780  }
0x1a: {  	[sflag:s12] =	ssyncset.done $0x0  }
0x1b: {  	[sflag:s12] =	ssyncadd.s32 $0xFFFFD880  }
0x1c: {  	[tilespmem:s15], [sflag:$0x1] =	stream.linear.gather [hbm4b:s4+s3], $0x2780, $0x38;
	[tilespmem:$0x13C00] =	vst v63  }
0x1d: {  	_ =	swait.ge [sflag:s12], $0x2780  }
0x1e: {  	[sflag:s12] =	ssyncset.done $0x0  }
0x1f: {  	[sflag:s12] =	ssyncadd.s32 $0xFFFFD880  }
0x20: {  	[tilespmem:s16], [sflag:$0x1] =	stream.linear.gather [hbm4b:s5+s3], $0x2780, $0x38;
	[tilespmem:$0x13C00] =	vst v63  }
0x21: {  	_ =	swait.ge [sflag:s12], $0x2780  }
0x22: {  	[sflag:s12] =	ssyncset.done $0x0  }
0x23: {  	s23 =	simm.s32 $0x40;
	s24 =	simm.s32 $0x0;
	[sflag:s12] =	ssyncadd.s32 $0xFFFFD880  }
.LBB2_2:
0x24: {  	p0 =	sne.s32 s23, $0x9C00;
	[tilespmem:s24+$0xC580] =	vst v0;
	s24 =	smov.u32 s23;
	s23 =	sadd.s32 $0x40, s23  }
.Ltmp0:
0x25: {  	(pc) =	sbr.rel @p0 .LBB2_2-.Ltmp0, $2  }
0x26: {  	_ =	sdelay $0x2  }
0x27: {  	s24 =	sshra.s32 s24, $0x2  }
0x28: {  	[tilespmem:s24+$0xC580] =	vst v0;
	s23 =	simm.s32 $0x0;
	s24 =	simm.s32 $0x40;
	s25 =	simm.s32 $0x0  }
.LBB2_4:
0x29: {  	p0 =	sne.s32 s24, $0x9C00;
	[tilespmem:s25+$0xED00] =	vst v0;
	s25 =	smov.u32 s24;
	s24 =	sadd.s32 $0x40, s24  }
.Ltmp1:
0x2a: {  	(pc) =	sbr.rel @p0 .LBB2_4-.Ltmp1, $2  }
0x2b: {  	_ =	sdelay $0x2  }
0x2c: {  	s25 =	sshra.s32 s25, $0x2  }
0x2d: {  	[tilespmem:s25+$0xED00] =	vst v0  }
.LBB2_6:
0x2e: {  	p0 =	sne.s32 s23, $0x9C00  }
.Ltmp2:
0x2f: {  	_ = 	snop;
	(pc) =	sbr.rel @p0 .LBB2_6-.Ltmp2, $3  }
0x30: {  	_ =	sdelay $0x1  }
0x31: {  	s24 =	sshra.s32 s23, $0x2  }
0x32: {  	s23 =	sadd.s32 $0x40, s23;
	[tilespmem:s24+$0x11480] =	vst v0  }
0x33: {  	s23 =	simm.s32 $0x0  }
0x34: {  	v2 =	vld [tilespmem:s23+$0x0]  }
0x35: {  	v1 =	vld [tilespmem:s23+$0x2780];
	s23 =	simm.s32 $0x40  }
.LBB2_8:
0x36: {  	p0 =	sne.s32 s23, $0x9C00;
	_ =	sdelay $0x5  }
0x37: {  	v3 =	vld.idx.msk [tilespmem:v2+s16+$0x0], $0xffff  }
0x38: {  	v4 =	vld.idx.msk [tilespmem:v2+s14+$0x0], $0xffff;
	_ =	sdelay $0x5  }
0x39: {  	v4 =	vmul.f32 v4, v3;
	_ =	sdelay $0x1  }
0x3a: {  	[tilespmem:v1+s17+$0x0] =	vst.idx.add.f32.msk $0xffff, v4  }
0x3b: {  	v2 =	vld.idx.msk [tilespmem:v2+s15+$0x0], $0xffff;
	_ =	sdelay $0x5  }
0x3c: {  	v2 =	vmul.f32 v2, v3  }
.Ltmp3:
0x3d: {  	(pc) =	sbr.rel @p0 .LBB2_8-.Ltmp3, $4  }
0x3e: {  	[tilespmem:v1+s18+$0x0] =	vst.idx.add.f32.msk $0xffff, v2  }
0x3f: {  	s24 =	sshra.s32 s23, $0x2;
	[tilespmem:v1+s19+$0x0] =	vst.idx.add.f32.msk $0xffff, v3  }
0x40: {  	v2 =	vld [tilespmem:s24+$0x0]  }
0x41: {  	s23 =	sadd.s32 $0x40, s23;
	v1 =	vld [tilespmem:s24+$0x2780]  }
0x42: {  	_ =	sdelay $0x6  }
0x43: {  	v3 =	vld.idx.msk [tilespmem:v2+s16+$0x0], $0xffff  }
0x44: {  	v4 =	vld.idx.msk [tilespmem:v2+s14+$0x0], $0xffff;
	_ =	sdelay $0x4  }
0x45: {  	v4 =	vmul.f32 v4, v3;
	_ =	sdelay $0x1  }
0x46: {  	[tilespmem:v1+s17+$0x0] =	vst.idx.add.f32.msk $0xffff, v4  }
0x47: {  	v2 =	vld.idx.msk [tilespmem:v2+s15+$0x0], $0xffff;
	_ =	sdelay $0x4  }
0x48: {  	v2 =	vmul.f32 v2, v3;
	_ =	sdelay $0x1  }
0x49: {  	[tilespmem:v1+s18+$0x0] =	vst.idx.add.f32.msk $0xffff, v2  }
0x4a: {  	[tilespmem:v1+s19+$0x0] =	vst.idx.add.f32.msk $0xffff, v3  }
0x4b: {  	[hbm4b:s8+s20] =	stream.strided.scatter [tilespmem:s17], [sflag:$0x1], $0x2780, s21, s20, $0x38;
	[tilespmem:$0x13C00] =	vst v63  }
0x4c: {  	_ =	swait.ge [sflag:s12], $0x2780  }
0x4d: {  	[sflag:s12] =	ssyncset.done $0x0  }
0x4e: {  	[sflag:s12] =	ssyncadd.s32 $0xFFFFD880  }
0x4f: {  	[hbm4b:s9+s20] =	stream.strided.scatter [tilespmem:s18], [sflag:$0x1], $0x2780, s21, s20, $0x38;
	[tilespmem:$0x13C00] =	vst v63  }
0x50: {  	s22 =	sadd.s32 $0x1, s22;
	_ =	swait.ge [sflag:s12], $0x2780  }
0x51: {  	p0 =	sne.s32 s22, s11;
	[sflag:s12] =	ssyncset.done $0x0  }
.Ltmp4:
0x52: {  	[sflag:s12] =	ssyncadd.s32 $0xFFFFD880;
	(pc) =	sbr.rel @p0 .LBB2_1-.Ltmp4, $4  }
0x53: {  	[hbm4b:s10+s20] =	stream.strided.scatter [tilespmem:s19], [sflag:$0x1], $0x2780, s21, s20, $0x38;
	[tilespmem:$0x13C00] =	vst v63  }
0x54: {  	_ =	swait.ge [sflag:s12], $0x2780  }
0x55: {  	[sflag:s12] =	ssyncset.done $0x0  }
0x56: {  	[sflag:s12] =	ssyncadd.s32 $0xFFFFD880  }
0x57: {  	_ =	sfence.sel $0x180000  }
0x58: {  	[bflag:$0x0] =	sbarrier.arrive $0xFFFF  }
0x59: {  	p0 =	sne.s32 s0, $0x0;
	_ =	strace $0x9000004D  }
0x5a: {  	s0 =	sadd.s32 @!p0 $0x100000, s1;
	[bflag:$0x2] =	sbarrier.arrive $0xFFFF  }
0x5b: {  	[sflag:s0] =	ssyncadd.tile.s32 @!p0 $0x1;
	_ =	shalt  }
.Lfunc_end2:
_tile_overlayer_lowered:
.L_overlay_start_2:
0x5c: {  	(tag) =	ssettag $0x2  }
0x5d: {  	s0 =	rddreg [dreg:$0x0];
	s2 =	stileid.u32  }
0x5e: {  	s1 =	rddreg [dreg:$0x1];
	p0 =	sne.s32 s2, $0x0  }
0x5f: {  	s3 =	rddreg [dreg:$0x2];
	[bflag:$0x3] =	sbarrier.arrive $0xFFFF;
	s2 =	simm.s32 @!p0 $0x1C01  }
0x60: {  	[timem:s3], [sflag:s2] =	dma.local @!p0 [hbm:s0], s1  }
0x61: {  	s0 =	simm.s32 @!p0 $0x1  }
0x62: {  	_ =	swait.ge @!p0 [sflag:s0], s1  }
0x63: {  	s1 =	ssub.s32 @!p0 $0x0, s1;
	[sflag:s0] =	ssyncset.done @!p0 $0x0  }
0x64: {  	[sflag:s0] =	ssyncadd.s32 @!p0 s1  }
0x65: {  	[bflag:$0x3] =	sbarrier.arrive $0xFFFF  }
0x66: {  	_ =	shalt  }

</sc_bundles>
